<compile_context>
chip_gen: v7x
topology: tpu7x:2x2x1
jax: 0.10.2.dev20260603
libtpu: 0.0.44.dev20260713+nightly
codegen_flags: <defaults>
</compile_context>

<pallas_src>
import functools
import math

import jax
import jax.numpy as jnp
from jax import lax
from jax.experimental import pallas as pl
from jax.experimental.pallas import tpu as pltpu
from jax.experimental.pallas import tpu_sc as plsc

VOC_SIZE = 1000000
SIZE = 64
MAX_LEN = 200
B = 4096
L = 200
DIVS = 10000.0
SCALE = math.sqrt(SIZE)
BBLK = 128
PITCH = 128


def _pos_enc_table():
    pos = jnp.arange(MAX_LEN, dtype=jnp.float32)[:, None]
    loc_even = jnp.arange(0, SIZE, 2, dtype=jnp.float32)[None, :]
    even_vals = jnp.sin(pos / (DIVS ** (2.0 * loc_even / SIZE)))
    odd_vals = jnp.cos(pos / (DIVS ** (2.0 * (loc_even + 1.0) / SIZE)))
    out = jnp.zeros((MAX_LEN, SIZE), dtype=jnp.float32)
    out = out.at[:, 0::2].set(even_vals)
    out = out.at[:, 1::2].set(odd_vals)
    return out.reshape(-1)


def _make_sc_kernel():
    info = plsc.get_sparse_core_info()
    nc, ns, lanes = info.num_cores, info.num_subcores, info.num_lanes
    nw = nc * ns
    assert B // BBLK == nw
    mesh = plsc.VectorSubcoreMesh(
        core_axis_name="c", subcore_axis_name="s",
        num_cores=nc, num_subcores=ns)

    @functools.partial(
        pl.kernel,
        out_type=jax.ShapeDtypeStruct((L, SIZE, B), jnp.float32),
        mesh=mesh,
        compiler_params=pltpu.CompilerParams(needs_layout_passes=False),
        scratch_types=[
            pltpu.VMEM((L, BBLK), jnp.int32),
            pltpu.VMEM((2, BBLK, 128), jnp.float32),
            pltpu.VMEM((2, SIZE, PITCH), jnp.float32),
            pltpu.VMEM((MAX_LEN * SIZE,), jnp.float32),
            pltpu.SemaphoreType.DMA,
            pltpu.SemaphoreType.DMA,
        ],
    )
    def k(idxT_hbm, t128_hbm, pe_hbm, out_hbm, idx_v, rows_v, outb_v, pe_v,
          gsem, osem):
        wid = lax.axis_index("s") * nc + lax.axis_index("c")
        b0 = wid * BBLK
        pltpu.sync_copy(pe_hbm, pe_v)
        pltpu.sync_copy(idxT_hbm.at[:, pl.ds(b0, BBLK)], idx_v)
        lane_iota = jax.lax.iota(jnp.int32, lanes)

        def gather_start(l, buf):
            return pltpu.async_copy(
                t128_hbm.at[idx_v.at[l]], rows_v.at[buf], gsem)

        def compute(l, buf, obuf):
            rows = rows_v.at[buf]
            outb = outb_v.at[obuf]
            @plsc.parallel_loop(0, SIZE, unroll=4)
            def d_body(d):
                dvec = lane_iota * 0 + d
                pes = plsc.load_gather(pe_v, [l * SIZE + dvec])
                for j in range(BBLK // lanes):
                    bvec = lane_iota + j * lanes
                    vals = plsc.load_gather(rows, [bvec, dvec]) + pes
                    outb[d, pl.ds(j * lanes, lanes)] = vals

        def out_start(l, obuf):
            return pltpu.async_copy(
                outb_v.at[obuf, :, pl.ds(0, BBLK)],
                out_hbm.at[l, :, pl.ds(b0, BBLK)], osem)

        def out_wait(l, obuf):
            pltpu.make_async_copy(
                outb_v.at[obuf, :, pl.ds(0, BBLK)],
                out_hbm.at[l, :, pl.ds(b0, BBLK)], osem).wait()

        NB = 2
        for p in range(NB - 1):
            gather_start(p, p)

        def step(l, buf, obuf):
            @pl.when(l < L - (NB - 1))
            def _():
                gather_start(l + NB - 1, (buf + NB - 1) % NB)

            pltpu.make_async_copy(
                t128_hbm.at[idx_v.at[l]], rows_v.at[buf], gsem).wait()

            @pl.when(l >= 2)
            def _():
                out_wait(l - 2, obuf)

            compute(l, buf, obuf)
            out_start(l, obuf)

        def s_body(j, carry):
            for ph in range(NB):
                step(NB * j + ph, ph, ph % 2)
            return carry

        lax.fori_loop(0, L // NB, s_body, 0)
        out_wait(L - 2, 0)
        out_wait(L - 1, 1)

    return k


def kernel(enc_out, table):
    idxT = enc_out.T.astype(jnp.int32)
    t128 = jnp.pad(table * SCALE, ((0, 0), (0, 64)))
    pe = _pos_enc_table()
    k = _make_sc_kernel()
    out_phys = k(idxT, t128, pe)
    return jnp.transpose(out_phys, (2, 0, 1))

# --- scband reference (transcript-rebuilt; emitter-appended) ---
"""Pipeline reference for scband-embedding-31344671326579 (READ-ONLY COPY).

The authoritative reference and input builder live on the scoring server;
editing this copy changes nothing except your own understanding.
"""

import jax, jax.numpy as jnp
import numpy as np
import math

VOC_SIZE = 1000000
SIZE = 64
MAX_LEN = 200
B = 4096
L = 200
DIVS = 10000.0


def _pos_enc(max_len, size):
    # Faithful vectorization of the original double loop:
    # out[pos, loc]   = sin(pos / divs ** (2*loc/size))       for loc = 0,2,4,...
    # out[pos, loc+1] = cos(pos / divs ** (2*(loc+1)/size))
    pos = jnp.arange(max_len, dtype=jnp.float32)[:, None]
    loc_even = jnp.arange(0, size, 2, dtype=jnp.float32)[None, :]
    even_vals = jnp.sin(pos / (DIVS ** (2.0 * loc_even / size)))
    odd_vals = jnp.cos(pos / (DIVS ** (2.0 * (loc_even + 1.0) / size)))
    out = jnp.zeros((max_len, size), dtype=jnp.float32)
    out = out.at[:, 0::2].set(even_vals)
    out = out.at[:, 1::2].set(odd_vals)
    return out[None, :, :]  # (1, max_len, size)


def setup_inputs(seed: int = 0) -> dict:
    key = jax.random.key(seed)
    k1, k2 = jax.random.split(key)
    enc_out = jax.random.randint(k1, (B, L), 0, VOC_SIZE)
    table = jax.random.normal(k2, (VOC_SIZE, SIZE), dtype=jnp.float32)
    return {"enc_out": enc_out, "table": table}


def reference(enc_out, table):
    pe = _pos_enc(MAX_LEN, SIZE)
    emb = jnp.take(table, enc_out, axis=0) * math.sqrt(SIZE)
    emb = emb + pe[:, : emb.shape[1]]
    # dropout(0.1) is identity in eval mode
    return emb

if __name__ == "__main__":
    import jax
    _d = setup_inputs()
    print(jax.jit(kernel)(*tuple(_d.values())))

</pallas_src>

<mosaic_0001>
#map = affine_map<(d0, d1) -> (0, 0)>
#map1 = affine_map<(d0, d1) -> (0)>
#map2 = affine_map<(d0, d1) -> (0, 0, 0)>
module attributes {stable_mosaic.version = 14 : i64} {
  func.func @k(%arg0: i32, %arg1: i32, %arg2: memref<200x4096xi32, #tpu.memory_space<hbm>>, %arg3: memref<1000000x128xf32, #tpu.memory_space<hbm>>, %arg4: memref<12800xf32, #tpu.memory_space<hbm>>, %arg5: memref<200x64x4096xf32, #tpu.memory_space<hbm>>, %arg6: memref<200x128xi32, #tpu.memory_space<vmem>>, %arg7: memref<2x128x128xf32, #tpu.memory_space<vmem>>, %arg8: memref<2x64x128xf32, #tpu.memory_space<vmem>>, %arg9: memref<12800xf32, #tpu.memory_space<vmem>>, %arg10: memref<!tpu.dma_semaphore, #tpu.memory_space<semaphore_mem>>, %arg11: memref<!tpu.dma_semaphore, #tpu.memory_space<semaphore_mem>>) attributes {dimension_semantics = [#tpu.dimension_semantics<core_parallel>, #tpu.dimension_semantics<subcore_parallel>], iteration_bounds = array<i64: 2, 16>, scalar_prefetch = 0 : i64, scratch_operands = 6 : i64, tpu.core_type = #tpu.core_type<sc_vector_subcore>, window_params = [{transform_indices = #map}, {transform_indices = #map}, {transform_indices = #map1}, {transform_indices = #map2}]} {
    %mul3A = arith.constant 2 : i32
    %mul3A_0 = arith.muli %arg1, %mul3A : i32
    %add3A = arith.addi %mul3A_0, %arg0 : i32
    %mul3A_1 = arith.constant 128 : i32
    %mul3A_2 = arith.muli %add3A, %mul3A_1 : i32
    "tpu.region"() ({
      %run_scoped3A = tpu.sem_alloc : memref<!tpu.dma_semaphore, #tpu.memory_space<semaphore_mem>>
      tpu.enqueue_dma source(%arg4 : memref<12800xf32, #tpu.memory_space<hbm>>) target(%arg9 : memref<12800xf32, #tpu.memory_space<vmem>>) target_semaphore(%run_scoped3A : memref<!tpu.dma_semaphore, #tpu.memory_space<semaphore_mem>>)
      tpu.wait_dma2 semaphore(%run_scoped3A : memref<!tpu.dma_semaphore, #tpu.memory_space<semaphore_mem>>) src(%arg4 : memref<12800xf32, #tpu.memory_space<hbm>>) dst(%arg9 : memref<12800xf32, #tpu.memory_space<vmem>>)
      tpu.yield
    }) : () -> ()
    "tpu.region"() ({
      %run_scoped3A = tpu.sem_alloc : memref<!tpu.dma_semaphore, #tpu.memory_space<semaphore_mem>>
      %dma_start3A_50 = arith.constant 0 : i32
      %dma_start3A_51 = tpu.memref_slice %arg2[%dma_start3A_50, %mul3A_2] : memref<200x4096xi32, #tpu.memory_space<hbm>> -> memref<200x128xi32, #tpu.memory_space<hbm>>
      %dma_start3A_52 = arith.constant 0 : i32
      %dma_start3A_53 = tpu.memref_slice %arg2[%dma_start3A_52, %mul3A_2] : memref<200x4096xi32, #tpu.memory_space<hbm>> -> memref<200x128xi32, #tpu.memory_space<hbm>>
      tpu.enqueue_dma source(%dma_start3A_53 : memref<200x128xi32, #tpu.memory_space<hbm>>) target(%arg6 : memref<200x128xi32, #tpu.memory_space<vmem>>) target_semaphore(%run_scoped3A : memref<!tpu.dma_semaphore, #tpu.memory_space<semaphore_mem>>)
      %dma_wait3A_54 = arith.constant 0 : i32
      %dma_wait3A_55 = tpu.memref_slice %arg2[%dma_wait3A_54, %mul3A_2] : memref<200x4096xi32, #tpu.memory_space<hbm>> -> memref<200x128xi32, #tpu.memory_space<hbm>>
      %dma_wait3A_56 = arith.constant 0 : i32
      %dma_wait3A_57 = tpu.memref_slice %arg2[%dma_wait3A_56, %mul3A_2] : memref<200x4096xi32, #tpu.memory_space<hbm>> -> memref<200x128xi32, #tpu.memory_space<hbm>>
      tpu.wait_dma2 semaphore(%run_scoped3A : memref<!tpu.dma_semaphore, #tpu.memory_space<semaphore_mem>>) src(%dma_wait3A_57 : memref<200x128xi32, #tpu.memory_space<hbm>>) dst(%arg6 : memref<200x128xi32, #tpu.memory_space<vmem>>)
      tpu.yield
    }) : () -> ()
    %iota3A = tpu.iota {dimensions = array<i32: 0>} : vector<16xi32>
    %dma_start3A = arith.constant 0 : i32
    %dma_start3A_3 = arith.constant 0 : i32
    %dma_start3A_4 = arith.constant 0 : i32
    %dma_start3A_5 = arith.constant 0 : i32
    %dma_start3A_6 = tpu.memref_slice %arg7[%dma_start3A_3, %dma_start3A_4, %dma_start3A_5] : memref<2x128x128xf32, #tpu.memory_space<vmem>> -> memref<1x128x128xf32, #tpu.memory_space<vmem>>
    %dma_start3A_7 = tpu.memref_squeeze %dma_start3A_6 : memref<1x128x128xf32, #tpu.memory_space<vmem>> -> memref<128x128xf32, #tpu.memory_space<vmem>>
    %dma_start3A_8 = arith.constant 0 : i32
    %dma_start3A_9 = tpu.memref_slice %arg6[%dma_start3A, %dma_start3A_8] : memref<200x128xi32, #tpu.memory_space<vmem>> -> memref<1x128xi32, #tpu.memory_space<vmem>>
    %dma_start3A_10 = tpu.memref_squeeze %dma_start3A_9 : memref<1x128xi32, #tpu.memory_space<vmem>> -> memref<128xi32, #tpu.memory_space<vmem>>
    %dma_start3A_11 = arith.constant 0 : i32
    %dma_start3A_12 = arith.constant 0 : i32
    %dma_start3A_13 = tpu.memref_slice %arg3[%dma_start3A_11, %dma_start3A_12] : memref<1000000x128xf32, #tpu.memory_space<hbm>> -> memref<1000000x128xf32, #tpu.memory_space<hbm>>
    tpu.enqueue_indirect_dma source(%dma_start3A_13 : memref<1000000x128xf32, #tpu.memory_space<hbm>>) target(%dma_start3A_7 : memref<128x128xf32, #tpu.memory_space<vmem>>) offsets(%dma_start3A_10 : memref<128xi32, #tpu.memory_space<vmem>>) semaphore(%arg10 : memref<!tpu.dma_semaphore, #tpu.memory_space<semaphore_mem>>)
    %scan3A = arith.constant 0 : i32
    %scan3A_14 = arith.constant 0 : i32
    %scan3A_15 = arith.constant 100 : i32
    %scan3A_16 = arith.addi %scan3A_14, %scan3A_15 : i32
    %scan3A_17 = arith.constant 1 : i32
    scf.for %scan3A_50 = %scan3A_14 to %scan3A_16 step %scan3A_17  : i32 {
      %mul3A_51 = arith.constant 2 : i32
      %mul3A_52 = arith.muli %mul3A_51, %scan3A_50 : i32
      %add3A_53 = arith.constant 0 : i32
      %add3A_54 = arith.addi %mul3A_52, %add3A_53 : i32
      %lt3A = arith.constant 199 : i32
      %lt3A_55 = arith.cmpi slt, %add3A_54, %lt3A : i32
      %convert_element_type3A = arith.extui %lt3A_55 : i1 to i32
      %cond3A = arith.constant 0 : i32
      %cond3A_56 = arith.cmpi ne, %convert_element_type3A, %cond3A : i32
      scf.if %cond3A_56 {
        %add3A_136 = arith.constant 2 : i32
        %add3A_137 = arith.addi %add3A_54, %add3A_136 : i32
        %sub3A = arith.constant 1 : i32
        %sub3A_138 = arith.subi %add3A_137, %sub3A : i32
        %dma_start3A_139 = arith.constant 1 : i32
        %dma_start3A_140 = arith.constant 0 : i32
        %dma_start3A_141 = arith.constant 0 : i32
        %dma_start3A_142 = tpu.memref_slice %arg7[%dma_start3A_139, %dma_start3A_140, %dma_start3A_141] : memref<2x128x128xf32, #tpu.memory_space<vmem>> -> memref<1x128x128xf32, #tpu.memory_space<vmem>>
        %dma_start3A_143 = tpu.memref_squeeze %dma_start3A_142 : memref<1x128x128xf32, #tpu.memory_space<vmem>> -> memref<128x128xf32, #tpu.memory_space<vmem>>
        %dma_start3A_144 = arith.constant 0 : i32
        %dma_start3A_145 = tpu.memref_slice %arg6[%sub3A_138, %dma_start3A_144] : memref<200x128xi32, #tpu.memory_space<vmem>> -> memref<1x128xi32, #tpu.memory_space<vmem>>
        %dma_start3A_146 = tpu.memref_squeeze %dma_start3A_145 : memref<1x128xi32, #tpu.memory_space<vmem>> -> memref<128xi32, #tpu.memory_space<vmem>>
        %dma_start3A_147 = arith.constant 0 : i32
        %dma_start3A_148 = arith.constant 0 : i32
        %dma_start3A_149 = tpu.memref_slice %arg3[%dma_start3A_147, %dma_start3A_148] : memref<1000000x128xf32, #tpu.memory_space<hbm>> -> memref<1000000x128xf32, #tpu.memory_space<hbm>>
        tpu.enqueue_indirect_dma source(%dma_start3A_149 : memref<1000000x128xf32, #tpu.memory_space<hbm>>) target(%dma_start3A_143 : memref<128x128xf32, #tpu.memory_space<vmem>>) offsets(%dma_start3A_146 : memref<128xi32, #tpu.memory_space<vmem>>) semaphore(%arg10 : memref<!tpu.dma_semaphore, #tpu.memory_space<semaphore_mem>>)
      } else {
      }
      %dma_wait3A_57 = arith.constant 0 : i32
      %dma_wait3A_58 = arith.constant 0 : i32
      %dma_wait3A_59 = arith.constant 0 : i32
      %dma_wait3A_60 = tpu.memref_slice %arg7[%dma_wait3A_57, %dma_wait3A_58, %dma_wait3A_59] : memref<2x128x128xf32, #tpu.memory_space<vmem>> -> memref<1x128x128xf32, #tpu.memory_space<vmem>>
      %dma_wait3A_61 = tpu.memref_squeeze %dma_wait3A_60 : memref<1x128x128xf32, #tpu.memory_space<vmem>> -> memref<128x128xf32, #tpu.memory_space<vmem>>
      %dma_wait3A_62 = arith.constant 0 : i32
      %dma_wait3A_63 = tpu.memref_slice %arg6[%add3A_54, %dma_wait3A_62] : memref<200x128xi32, #tpu.memory_space<vmem>> -> memref<1x128xi32, #tpu.memory_space<vmem>>
      %dma_wait3A_64 = tpu.memref_squeeze %dma_wait3A_63 : memref<1x128xi32, #tpu.memory_space<vmem>> -> memref<128xi32, #tpu.memory_space<vmem>>
      %dma_wait3A_65 = arith.constant 0 : i32
      %dma_wait3A_66 = arith.constant 0 : i32
      %dma_wait3A_67 = tpu.memref_slice %arg3[%dma_wait3A_65, %dma_wait3A_66] : memref<1000000x128xf32, #tpu.memory_space<hbm>> -> memref<1000000x128xf32, #tpu.memory_space<hbm>>
      tpu.wait_indirect_dma semaphore(%arg10 : memref<!tpu.dma_semaphore, #tpu.memory_space<semaphore_mem>>) src(%dma_wait3A_67 : memref<1000000x128xf32, #tpu.memory_space<hbm>>) dst(%dma_wait3A_61 : memref<128x128xf32, #tpu.memory_space<vmem>>)
      %ge3A = arith.constant 2 : i32
      %ge3A_68 = arith.cmpi sge, %add3A_54, %ge3A : i32
      %convert_element_type3A_69 = arith.extui %ge3A_68 : i1 to i32
      %cond3A_70 = arith.constant 0 : i32
      %cond3A_71 = arith.cmpi ne, %convert_element_type3A_69, %cond3A_70 : i32
      scf.if %cond3A_71 {
        %sub3A = arith.constant 2 : i32
        %sub3A_136 = arith.subi %add3A_54, %sub3A : i32
        %dma_wait3A_137 = arith.constant 0 : i32
        %dma_wait3A_138 = arith.constant 0 : i32
        %dma_wait3A_139 = arith.constant 0 : i32
        %dma_wait3A_140 = tpu.memref_slice %arg8[%dma_wait3A_137, %dma_wait3A_138, %dma_wait3A_139] : memref<2x64x128xf32, #tpu.memory_space<vmem>> -> memref<1x64x128xf32, #tpu.memory_space<vmem>>
        %dma_wait3A_141 = tpu.memref_squeeze %dma_wait3A_140 : memref<1x64x128xf32, #tpu.memory_space<vmem>> -> memref<64x128xf32, #tpu.memory_space<vmem>>
        %dma_wait3A_142 = arith.constant 0 : i32
        %dma_wait3A_143 = tpu.memref_slice %arg5[%sub3A_136, %dma_wait3A_142, %mul3A_2] : memref<200x64x4096xf32, #tpu.memory_space<hbm>> -> memref<1x64x128xf32, #tpu.memory_space<hbm>>
        %dma_wait3A_144 = tpu.memref_squeeze %dma_wait3A_143 : memref<1x64x128xf32, #tpu.memory_space<hbm>> -> memref<64x128xf32, #tpu.memory_space<hbm>>
        %dma_wait3A_145 = arith.constant 0 : i32
        %dma_wait3A_146 = tpu.memref_slice %arg5[%sub3A_136, %dma_wait3A_145, %mul3A_2] : memref<200x64x4096xf32, #tpu.memory_space<hbm>> -> memref<1x64x128xf32, #tpu.memory_space<hbm>>
        %dma_wait3A_147 = tpu.memref_squeeze %dma_wait3A_146 : memref<1x64x128xf32, #tpu.memory_space<hbm>> -> memref<64x128xf32, #tpu.memory_space<hbm>>
        %dma_wait3A_148 = arith.constant 0 : i32
        %dma_wait3A_149 = arith.constant 0 : i32
        %dma_wait3A_150 = tpu.memref_slice %arg8[%dma_wait3A_137, %dma_wait3A_148, %dma_wait3A_149] : memref<2x64x128xf32, #tpu.memory_space<vmem>> -> memref<1x64x128xf32, #tpu.memory_space<vmem>>
        %dma_wait3A_151 = tpu.memref_squeeze %dma_wait3A_150 : memref<1x64x128xf32, #tpu.memory_space<vmem>> -> memref<64x128xf32, #tpu.memory_space<vmem>>
        tpu.wait_dma2 semaphore(%arg11 : memref<!tpu.dma_semaphore, #tpu.memory_space<semaphore_mem>>) src(%dma_wait3A_151 : memref<64x128xf32, #tpu.memory_space<vmem>>) dst(%dma_wait3A_147 : memref<64x128xf32, #tpu.memory_space<hbm>>)
      } else {
      }
      %parallel_loop3A = arith.constant 0 : i32
      %parallel_loop3A_72 = arith.constant 64 : i32
      %parallel_loop3A_73 = arith.constant 1 : i32
      %parallel_loop3A_74 = arith.constant 0 : i32
      %parallel_loop3A_75 = arith.constant 0 : i32
      scf.for %parallel_loop3A_136 = %parallel_loop3A to %parallel_loop3A_72 step %parallel_loop3A_73  : i32 {
        %parallel_loop3A_137 = arith.constant 0 : i32
        %parallel_loop3A_138 = vector.broadcast %parallel_loop3A_137 : i32 to vector<16xi32>
        %parallel_loop3A_139 = arith.muli %iota3A, %parallel_loop3A_138 : vector<16xi32>
        %parallel_loop3A_140 = vector.broadcast %parallel_loop3A_136 : i32 to vector<16xi32>
        %parallel_loop3A_141 = arith.addi %parallel_loop3A_139, %parallel_loop3A_140 : vector<16xi32>
        %parallel_loop3A_142 = arith.constant 64 : i32
        %parallel_loop3A_143 = arith.muli %add3A_54, %parallel_loop3A_142 : i32
        %parallel_loop3A_144 = vector.broadcast %parallel_loop3A_143 : i32 to vector<16xi32>
        %parallel_loop3A_145 = arith.addi %parallel_loop3A_144, %parallel_loop3A_141 : vector<16xi32>
        %parallel_loop3A_146 = tpu.vector_load_idx %arg9[%parallel_loop3A_145] : memref<12800xf32, #tpu.memory_space<vmem>>[vector<16xi32>], vector<16xf32>,
        %parallel_loop3A_147 = arith.constant 0 : i32
        %parallel_loop3A_148 = vector.broadcast %parallel_loop3A_147 : i32 to vector<16xi32>
        %parallel_loop3A_149 = arith.addi %iota3A, %parallel_loop3A_148 : vector<16xi32>
        %parallel_loop3A_150 = arith.constant 0 : i32
        %parallel_loop3A_151 = arith.constant 0 : i32
        %parallel_loop3A_152 = tpu.memref_slice %arg7[%parallel_loop3A_74, %parallel_loop3A_150, %parallel_loop3A_151] : memref<2x128x128xf32, #tpu.memory_space<vmem>> -> memref<1x128x128xf32, #tpu.memory_space<vmem>>
        %parallel_loop3A_153 = tpu.memref_squeeze %parallel_loop3A_152 : memref<1x128x128xf32, #tpu.memory_space<vmem>> -> memref<128x128xf32, #tpu.memory_space<vmem>>
        %parallel_loop3A_154 = tpu.vector_load_idx %parallel_loop3A_153[%parallel_loop3A_149, %parallel_loop3A_141] : memref<128x128xf32, #tpu.memory_space<vmem>>[vector<16xi32>, vector<16xi32>], vector<16xf32>,
        %parallel_loop3A_155 = arith.addf %parallel_loop3A_154, %parallel_loop3A_146 : vector<16xf32>
        %parallel_loop3A_156 = arith.constant 0 : i32
        %parallel_loop3A_157 = arith.constant 0 : i32
        %parallel_loop3A_158 = tpu.memref_slice %arg8[%parallel_loop3A_75, %parallel_loop3A_156, %parallel_loop3A_157] : memref<2x64x128xf32, #tpu.memory_space<vmem>> -> memref<1x64x128xf32, #tpu.memory_space<vmem>>
        %parallel_loop3A_159 = tpu.memref_squeeze %parallel_loop3A_158 : memref<1x64x128xf32, #tpu.memory_space<vmem>> -> memref<64x128xf32, #tpu.memory_space<vmem>>
        %parallel_loop3A_160 = arith.index_cast %parallel_loop3A_136 : i32 to index
        %parallel_loop3A_161 = arith.constant 0 : index
        %parallel_loop3A_162 = tpu.vector_load %parallel_loop3A_159[%parallel_loop3A_160, %parallel_loop3A_161] {strides = array<i32>} : memref<64x128xf32, #tpu.memory_space<vmem>>, vector<16xf32>,
        tpu.vector_store %parallel_loop3A_159[%parallel_loop3A_160, %parallel_loop3A_161], %parallel_loop3A_155 {strides = array<i32>} : memref<64x128xf32, #tpu.memory_space<vmem>>, vector<16xf32>,
        %parallel_loop3A_163 = arith.constant 16 : i32
        %parallel_loop3A_164 = vector.broadcast %parallel_loop3A_163 : i32 to vector<16xi32>
        %parallel_loop3A_165 = arith.addi %iota3A, %parallel_loop3A_164 : vector<16xi32>
        %parallel_loop3A_166 = arith.constant 0 : i32
        %parallel_loop3A_167 = arith.constant 0 : i32
        %parallel_loop3A_168 = tpu.memref_slice %arg7[%parallel_loop3A_74, %parallel_loop3A_166, %parallel_loop3A_167] : memref<2x128x128xf32, #tpu.memory_space<vmem>> -> memref<1x128x128xf32, #tpu.memory_space<vmem>>
        %parallel_loop3A_169 = tpu.memref_squeeze %parallel_loop3A_168 : memref<1x128x128xf32, #tpu.memory_space<vmem>> -> memref<128x128xf32, #tpu.memory_space<vmem>>
        %parallel_loop3A_170 = tpu.vector_load_idx %parallel_loop3A_169[%parallel_loop3A_165, %parallel_loop3A_141] : memref<128x128xf32, #tpu.memory_space<vmem>>[vector<16xi32>, vector<16xi32>], vector<16xf32>,
        %parallel_loop3A_171 = arith.addf %parallel_loop3A_170, %parallel_loop3A_146 : vector<16xf32>
        %parallel_loop3A_172 = arith.constant 0 : i32
        %parallel_loop3A_173 = arith.constant 0 : i32
        %parallel_loop3A_174 = tpu.memref_slice %arg8[%parallel_loop3A_75, %parallel_loop3A_172, %parallel_loop3A_173] : memref<2x64x128xf32, #tpu.memory_space<vmem>> -> memref<1x64x128xf32, #tpu.memory_space<vmem>>
        %parallel_loop3A_175 = tpu.memref_squeeze %parallel_loop3A_174 : memref<1x64x128xf32, #tpu.memory_space<vmem>> -> memref<64x128xf32, #tpu.memory_space<vmem>>
        %parallel_loop3A_176 = arith.index_cast %parallel_loop3A_136 : i32 to index
        %parallel_loop3A_177 = arith.constant 16 : index
        %parallel_loop3A_178 = tpu.vector_load %parallel_loop3A_175[%parallel_loop3A_176, %parallel_loop3A_177] {strides = array<i32>} : memref<64x128xf32, #tpu.memory_space<vmem>>, vector<16xf32>,
        tpu.vector_store %parallel_loop3A_175[%parallel_loop3A_176, %parallel_loop3A_177], %parallel_loop3A_171 {strides = array<i32>} : memref<64x128xf32, #tpu.memory_space<vmem>>, vector<16xf32>,
        %parallel_loop3A_179 = arith.constant 32 : i32
        %parallel_loop3A_180 = vector.broadcast %parallel_loop3A_179 : i32 to vector<16xi32>
        %parallel_loop3A_181 = arith.addi %iota3A, %parallel_loop3A_180 : vector<16xi32>
        %parallel_loop3A_182 = arith.constant 0 : i32
        %parallel_loop3A_183 = arith.constant 0 : i32
        %parallel_loop3A_184 = tpu.memref_slice %arg7[%parallel_loop3A_74, %parallel_loop3A_182, %parallel_loop3A_183] : memref<2x128x128xf32, #tpu.memory_space<vmem>> -> memref<1x128x128xf32, #tpu.memory_space<vmem>>
        %parallel_loop3A_185 = tpu.memref_squeeze %parallel_loop3A_184 : memref<1x128x128xf32, #tpu.memory_space<vmem>> -> memref<128x128xf32, #tpu.memory_space<vmem>>
        %parallel_loop3A_186 = tpu.vector_load_idx %parallel_loop3A_185[%parallel_loop3A_181, %parallel_loop3A_141] : memref<128x128xf32, #tpu.memory_space<vmem>>[vector<16xi32>, vector<16xi32>], vector<16xf32>,
        %parallel_loop3A_187 = arith.addf %parallel_loop3A_186, %parallel_loop3A_146 : vector<16xf32>
        %parallel_loop3A_188 = arith.constant 0 : i32
        %parallel_loop3A_189 = arith.constant 0 : i32
        %parallel_loop3A_190 = tpu.memref_slice %arg8[%parallel_loop3A_75, %parallel_loop3A_188, %parallel_loop3A_189] : memref<2x64x128xf32, #tpu.memory_space<vmem>> -> memref<1x64x128xf32, #tpu.memory_space<vmem>>
        %parallel_loop3A_191 = tpu.memref_squeeze %parallel_loop3A_190 : memref<1x64x128xf32, #tpu.memory_space<vmem>> -> memref<64x128xf32, #tpu.memory_space<vmem>>
        %parallel_loop3A_192 = arith.index_cast %parallel_loop3A_136 : i32 to index
        %parallel_loop3A_193 = arith.constant 32 : index
        %parallel_loop3A_194 = tpu.vector_load %parallel_loop3A_191[%parallel_loop3A_192, %parallel_loop3A_193] {strides = array<i32>} : memref<64x128xf32, #tpu.memory_space<vmem>>, vector<16xf32>,
        tpu.vector_store %parallel_loop3A_191[%parallel_loop3A_192, %parallel_loop3A_193], %parallel_loop3A_187 {strides = array<i32>} : memref<64x128xf32, #tpu.memory_space<vmem>>, vector<16xf32>,
        %parallel_loop3A_195 = arith.constant 48 : i32
        %parallel_loop3A_196 = vector.broadcast %parallel_loop3A_195 : i32 to vector<16xi32>
        %parallel_loop3A_197 = arith.addi %iota3A, %parallel_loop3A_196 : vector<16xi32>
        %parallel_loop3A_198 = arith.constant 0 : i32
        %parallel_loop3A_199 = arith.constant 0 : i32
        %parallel_loop3A_200 = tpu.memref_slice %arg7[%parallel_loop3A_74, %parallel_loop3A_198, %parallel_loop3A_199] : memref<2x128x128xf32, #tpu.memory_space<vmem>> -> memref<1x128x128xf32, #tpu.memory_space<vmem>>
        %parallel_loop3A_201 = tpu.memref_squeeze %parallel_loop3A_200 : memref<1x128x128xf32, #tpu.memory_space<vmem>> -> memref<128x128xf32, #tpu.memory_space<vmem>>
        %parallel_loop3A_202 = tpu.vector_load_idx %parallel_loop3A_201[%parallel_loop3A_197, %parallel_loop3A_141] : memref<128x128xf32, #tpu.memory_space<vmem>>[vector<16xi32>, vector<16xi32>], vector<16xf32>,
        %parallel_loop3A_203 = arith.addf %parallel_loop3A_202, %parallel_loop3A_146 : vector<16xf32>
        %parallel_loop3A_204 = arith.constant 0 : i32
        %parallel_loop3A_205 = arith.constant 0 : i32
        %parallel_loop3A_206 = tpu.memref_slice %arg8[%parallel_loop3A_75, %parallel_loop3A_204, %parallel_loop3A_205] : memref<2x64x128xf32, #tpu.memory_space<vmem>> -> memref<1x64x128xf32, #tpu.memory_space<vmem>>
        %parallel_loop3A_207 = tpu.memref_squeeze %parallel_loop3A_206 : memref<1x64x128xf32, #tpu.memory_space<vmem>> -> memref<64x128xf32, #tpu.memory_space<vmem>>
        %parallel_loop3A_208 = arith.index_cast %parallel_loop3A_136 : i32 to index
        %parallel_loop3A_209 = arith.constant 48 : index
        %parallel_loop3A_210 = tpu.vector_load %parallel_loop3A_207[%parallel_loop3A_208, %parallel_loop3A_209] {strides = array<i32>} : memref<64x128xf32, #tpu.memory_space<vmem>>, vector<16xf32>,
        tpu.vector_store %parallel_loop3A_207[%parallel_loop3A_208, %parallel_loop3A_209], %parallel_loop3A_203 {strides = array<i32>} : memref<64x128xf32, #tpu.memory_space<vmem>>, vector<16xf32>,
        %parallel_loop3A_211 = arith.constant 64 : i32
        %parallel_loop3A_212 = vector.broadcast %parallel_loop3A_211 : i32 to vector<16xi32>
        %parallel_loop3A_213 = arith.addi %iota3A, %parallel_loop3A_212 : vector<16xi32>
        %parallel_loop3A_214 = arith.constant 0 : i32
        %parallel_loop3A_215 = arith.constant 0 : i32
        %parallel_loop3A_216 = tpu.memref_slice %arg7[%parallel_loop3A_74, %parallel_loop3A_214, %parallel_loop3A_215] : memref<2x128x128xf32, #tpu.memory_space<vmem>> -> memref<1x128x128xf32, #tpu.memory_space<vmem>>
        %parallel_loop3A_217 = tpu.memref_squeeze %parallel_loop3A_216 : memref<1x128x128xf32, #tpu.memory_space<vmem>> -> memref<128x128xf32, #tpu.memory_space<vmem>>
        %parallel_loop3A_218 = tpu.vector_load_idx %parallel_loop3A_217[%parallel_loop3A_213, %parallel_loop3A_141] : memref<128x128xf32, #tpu.memory_space<vmem>>[vector<16xi32>, vector<16xi32>], vector<16xf32>,
        %parallel_loop3A_219 = arith.addf %parallel_loop3A_218, %parallel_loop3A_146 : vector<16xf32>
        %parallel_loop3A_220 = arith.constant 0 : i32
        %parallel_loop3A_221 = arith.constant 0 : i32
        %parallel_loop3A_222 = tpu.memref_slice %arg8[%parallel_loop3A_75, %parallel_loop3A_220, %parallel_loop3A_221] : memref<2x64x128xf32, #tpu.memory_space<vmem>> -> memref<1x64x128xf32, #tpu.memory_space<vmem>>
        %parallel_loop3A_223 = tpu.memref_squeeze %parallel_loop3A_222 : memref<1x64x128xf32, #tpu.memory_space<vmem>> -> memref<64x128xf32, #tpu.memory_space<vmem>>
        %parallel_loop3A_224 = arith.index_cast %parallel_loop3A_136 : i32 to index
        %parallel_loop3A_225 = arith.constant 64 : index
        %parallel_loop3A_226 = tpu.vector_load %parallel_loop3A_223[%parallel_loop3A_224, %parallel_loop3A_225] {strides = array<i32>} : memref<64x128xf32, #tpu.memory_space<vmem>>, vector<16xf32>,
        tpu.vector_store %parallel_loop3A_223[%parallel_loop3A_224, %parallel_loop3A_225], %parallel_loop3A_219 {strides = array<i32>} : memref<64x128xf32, #tpu.memory_space<vmem>>, vector<16xf32>,
        %parallel_loop3A_227 = arith.constant 80 : i32
        %parallel_loop3A_228 = vector.broadcast %parallel_loop3A_227 : i32 to vector<16xi32>
        %parallel_loop3A_229 = arith.addi %iota3A, %parallel_loop3A_228 : vector<16xi32>
        %parallel_loop3A_230 = arith.constant 0 : i32
        %parallel_loop3A_231 = arith.constant 0 : i32
        %parallel_loop3A_232 = tpu.memref_slice %arg7[%parallel_loop3A_74, %parallel_loop3A_230, %parallel_loop3A_231] : memref<2x128x128xf32, #tpu.memory_space<vmem>> -> memref<1x128x128xf32, #tpu.memory_space<vmem>>
        %parallel_loop3A_233 = tpu.memref_squeeze %parallel_loop3A_232 : memref<1x128x128xf32, #tpu.memory_space<vmem>> -> memref<128x128xf32, #tpu.memory_space<vmem>>
        %parallel_loop3A_234 = tpu.vector_load_idx %parallel_loop3A_233[%parallel_loop3A_229, %parallel_loop3A_141] : memref<128x128xf32, #tpu.memory_space<vmem>>[vector<16xi32>, vector<16xi32>], vector<16xf32>,
        %parallel_loop3A_235 = arith.addf %parallel_loop3A_234, %parallel_loop3A_146 : vector<16xf32>
        %parallel_loop3A_236 = arith.constant 0 : i32
        %parallel_loop3A_237 = arith.constant 0 : i32
        %parallel_loop3A_238 = tpu.memref_slice %arg8[%parallel_loop3A_75, %parallel_loop3A_236, %parallel_loop3A_237] : memref<2x64x128xf32, #tpu.memory_space<vmem>> -> memref<1x64x128xf32, #tpu.memory_space<vmem>>
        %parallel_loop3A_239 = tpu.memref_squeeze %parallel_loop3A_238 : memref<1x64x128xf32, #tpu.memory_space<vmem>> -> memref<64x128xf32, #tpu.memory_space<vmem>>
        %parallel_loop3A_240 = arith.index_cast %parallel_loop3A_136 : i32 to index
        %parallel_loop3A_241 = arith.constant 80 : index
        %parallel_loop3A_242 = tpu.vector_load %parallel_loop3A_239[%parallel_loop3A_240, %parallel_loop3A_241] {strides = array<i32>} : memref<64x128xf32, #tpu.memory_space<vmem>>, vector<16xf32>,
        tpu.vector_store %parallel_loop3A_239[%parallel_loop3A_240, %parallel_loop3A_241], %parallel_loop3A_235 {strides = array<i32>} : memref<64x128xf32, #tpu.memory_space<vmem>>, vector<16xf32>,
        %parallel_loop3A_243 = arith.constant 96 : i32
        %parallel_loop3A_244 = vector.broadcast %parallel_loop3A_243 : i32 to vector<16xi32>
        %parallel_loop3A_245 = arith.addi %iota3A, %parallel_loop3A_244 : vector<16xi32>
        %parallel_loop3A_246 = arith.constant 0 : i32
        %parallel_loop3A_247 = arith.constant 0 : i32
        %parallel_loop3A_248 = tpu.memref_slice %arg7[%parallel_loop3A_74, %parallel_loop3A_246, %parallel_loop3A_247] : memref<2x128x128xf32, #tpu.memory_space<vmem>> -> memref<1x128x128xf32, #tpu.memory_space<vmem>>
        %parallel_loop3A_249 = tpu.memref_squeeze %parallel_loop3A_248 : memref<1x128x128xf32, #tpu.memory_space<vmem>> -> memref<128x128xf32, #tpu.memory_space<vmem>>
        %parallel_loop3A_250 = tpu.vector_load_idx %parallel_loop3A_249[%parallel_loop3A_245, %parallel_loop3A_141] : memref<128x128xf32, #tpu.memory_space<vmem>>[vector<16xi32>, vector<16xi32>], vector<16xf32>,
        %parallel_loop3A_251 = arith.addf %parallel_loop3A_250, %parallel_loop3A_146 : vector<16xf32>
        %parallel_loop3A_252 = arith.constant 0 : i32
        %parallel_loop3A_253 = arith.constant 0 : i32
        %parallel_loop3A_254 = tpu.memref_slice %arg8[%parallel_loop3A_75, %parallel_loop3A_252, %parallel_loop3A_253] : memref<2x64x128xf32, #tpu.memory_space<vmem>> -> memref<1x64x128xf32, #tpu.memory_space<vmem>>
        %parallel_loop3A_255 = tpu.memref_squeeze %parallel_loop3A_254 : memref<1x64x128xf32, #tpu.memory_space<vmem>> -> memref<64x128xf32, #tpu.memory_space<vmem>>
        %parallel_loop3A_256 = arith.index_cast %parallel_loop3A_136 : i32 to index
        %parallel_loop3A_257 = arith.constant 96 : index
        %parallel_loop3A_258 = tpu.vector_load %parallel_loop3A_255[%parallel_loop3A_256, %parallel_loop3A_257] {strides = array<i32>} : memref<64x128xf32, #tpu.memory_space<vmem>>, vector<16xf32>,
        tpu.vector_store %parallel_loop3A_255[%parallel_loop3A_256, %parallel_loop3A_257], %parallel_loop3A_251 {strides = array<i32>} : memref<64x128xf32, #tpu.memory_space<vmem>>, vector<16xf32>,
        %parallel_loop3A_259 = arith.constant 112 : i32
        %parallel_loop3A_260 = vector.broadcast %parallel_loop3A_259 : i32 to vector<16xi32>
        %parallel_loop3A_261 = arith.addi %iota3A, %parallel_loop3A_260 : vector<16xi32>
        %parallel_loop3A_262 = arith.constant 0 : i32
        %parallel_loop3A_263 = arith.constant 0 : i32
        %parallel_loop3A_264 = tpu.memref_slice %arg7[%parallel_loop3A_74, %parallel_loop3A_262, %parallel_loop3A_263] : memref<2x128x128xf32, #tpu.memory_space<vmem>> -> memref<1x128x128xf32, #tpu.memory_space<vmem>>
        %parallel_loop3A_265 = tpu.memref_squeeze %parallel_loop3A_264 : memref<1x128x128xf32, #tpu.memory_space<vmem>> -> memref<128x128xf32, #tpu.memory_space<vmem>>
        %parallel_loop3A_266 = tpu.vector_load_idx %parallel_loop3A_265[%parallel_loop3A_261, %parallel_loop3A_141] : memref<128x128xf32, #tpu.memory_space<vmem>>[vector<16xi32>, vector<16xi32>], vector<16xf32>,
        %parallel_loop3A_267 = arith.addf %parallel_loop3A_266, %parallel_loop3A_146 : vector<16xf32>
        %parallel_loop3A_268 = arith.constant 0 : i32
        %parallel_loop3A_269 = arith.constant 0 : i32
        %parallel_loop3A_270 = tpu.memref_slice %arg8[%parallel_loop3A_75, %parallel_loop3A_268, %parallel_loop3A_269] : memref<2x64x128xf32, #tpu.memory_space<vmem>> -> memref<1x64x128xf32, #tpu.memory_space<vmem>>
        %parallel_loop3A_271 = tpu.memref_squeeze %parallel_loop3A_270 : memref<1x64x128xf32, #tpu.memory_space<vmem>> -> memref<64x128xf32, #tpu.memory_space<vmem>>
        %parallel_loop3A_272 = arith.index_cast %parallel_loop3A_136 : i32 to index
        %parallel_loop3A_273 = arith.constant 112 : index
        %parallel_loop3A_274 = tpu.vector_load %parallel_loop3A_271[%parallel_loop3A_272, %parallel_loop3A_273] {strides = array<i32>} : memref<64x128xf32, #tpu.memory_space<vmem>>, vector<16xf32>,
        tpu.vector_store %parallel_loop3A_271[%parallel_loop3A_272, %parallel_loop3A_273], %parallel_loop3A_267 {strides = array<i32>} : memref<64x128xf32, #tpu.memory_space<vmem>>, vector<16xf32>,
      } {sc.loop_unroll_factor = 4 : i64, sc.parallel_access}
      %dma_start3A_76 = arith.constant 0 : i32
      %dma_start3A_77 = arith.constant 0 : i32
      %dma_start3A_78 = arith.constant 0 : i32
      %dma_start3A_79 = tpu.memref_slice %arg8[%dma_start3A_76, %dma_start3A_77, %dma_start3A_78] : memref<2x64x128xf32, #tpu.memory_space<vmem>> -> memref<1x64x128xf32, #tpu.memory_space<vmem>>
      %dma_start3A_80 = tpu.memref_squeeze %dma_start3A_79 : memref<1x64x128xf32, #tpu.memory_space<vmem>> -> memref<64x128xf32, #tpu.memory_space<vmem>>
      %dma_start3A_81 = arith.constant 0 : i32
      %dma_start3A_82 = tpu.memref_slice %arg5[%add3A_54, %dma_start3A_81, %mul3A_2] : memref<200x64x4096xf32, #tpu.memory_space<hbm>> -> memref<1x64x128xf32, #tpu.memory_space<hbm>>
      %dma_start3A_83 = tpu.memref_squeeze %dma_start3A_82 : memref<1x64x128xf32, #tpu.memory_space<hbm>> -> memref<64x128xf32, #tpu.memory_space<hbm>>
      %dma_start3A_84 = arith.constant 0 : i32
      %dma_start3A_85 = tpu.memref_slice %arg5[%add3A_54, %dma_start3A_84, %mul3A_2] : memref<200x64x4096xf32, #tpu.memory_space<hbm>> -> memref<1x64x128xf32, #tpu.memory_space<hbm>>
      %dma_start3A_86 = tpu.memref_squeeze %dma_start3A_85 : memref<1x64x128xf32, #tpu.memory_space<hbm>> -> memref<64x128xf32, #tpu.memory_space<hbm>>
      %dma_start3A_87 = arith.constant 0 : i32
      %dma_start3A_88 = arith.constant 0 : i32
      %dma_start3A_89 = tpu.memref_slice %arg8[%dma_start3A_76, %dma_start3A_87, %dma_start3A_88] : memref<2x64x128xf32, #tpu.memory_space<vmem>> -> memref<1x64x128xf32, #tpu.memory_space<vmem>>
      %dma_start3A_90 = tpu.memref_squeeze %dma_start3A_89 : memref<1x64x128xf32, #tpu.memory_space<vmem>> -> memref<64x128xf32, #tpu.memory_space<vmem>>
      tpu.enqueue_dma source(%dma_start3A_90 : memref<64x128xf32, #tpu.memory_space<vmem>>) target(%dma_start3A_86 : memref<64x128xf32, #tpu.memory_space<hbm>>) target_semaphore(%arg11 : memref<!tpu.dma_semaphore, #tpu.memory_space<semaphore_mem>>)
      %mul3A_91 = arith.constant 2 : i32
      %mul3A_92 = arith.muli %mul3A_91, %scan3A_50 : i32
      %add3A_93 = arith.constant 1 : i32
      %add3A_94 = arith.addi %mul3A_92, %add3A_93 : i32
      %lt3A_95 = arith.constant 199 : i32
      %lt3A_96 = arith.cmpi slt, %add3A_94, %lt3A_95 : i32
      %convert_element_type3A_97 = arith.extui %lt3A_96 : i1 to i32
      %cond3A_98 = arith.constant 0 : i32
      %cond3A_99 = arith.cmpi ne, %convert_element_type3A_97, %cond3A_98 : i32
      scf.if %cond3A_99 {
        %add3A_136 = arith.constant 2 : i32
        %add3A_137 = arith.addi %add3A_94, %add3A_136 : i32
        %sub3A = arith.constant 1 : i32
        %sub3A_138 = arith.subi %add3A_137, %sub3A : i32
        %dma_start3A_139 = arith.constant 0 : i32
        %dma_start3A_140 = arith.constant 0 : i32
        %dma_start3A_141 = arith.constant 0 : i32
        %dma_start3A_142 = tpu.memref_slice %arg7[%dma_start3A_139, %dma_start3A_140, %dma_start3A_141] : memref<2x128x128xf32, #tpu.memory_space<vmem>> -> memref<1x128x128xf32, #tpu.memory_space<vmem>>
        %dma_start3A_143 = tpu.memref_squeeze %dma_start3A_142 : memref<1x128x128xf32, #tpu.memory_space<vmem>> -> memref<128x128xf32, #tpu.memory_space<vmem>>
        %dma_start3A_144 = arith.constant 0 : i32
        %dma_start3A_145 = tpu.memref_slice %arg6[%sub3A_138, %dma_start3A_144] : memref<200x128xi32, #tpu.memory_space<vmem>> -> memref<1x128xi32, #tpu.memory_space<vmem>>
        %dma_start3A_146 = tpu.memref_squeeze %dma_start3A_145 : memref<1x128xi32, #tpu.memory_space<vmem>> -> memref<128xi32, #tpu.memory_space<vmem>>
        %dma_start3A_147 = arith.constant 0 : i32
        %dma_start3A_148 = arith.constant 0 : i32
        %dma_start3A_149 = tpu.memref_slice %arg3[%dma_start3A_147, %dma_start3A_148] : memref<1000000x128xf32, #tpu.memory_space<hbm>> -> memref<1000000x128xf32, #tpu.memory_space<hbm>>
        tpu.enqueue_indirect_dma source(%dma_start3A_149 : memref<1000000x128xf32, #tpu.memory_space<hbm>>) target(%dma_start3A_143 : memref<128x128xf32, #tpu.memory_space<vmem>>) offsets(%dma_start3A_146 : memref<128xi32, #tpu.memory_space<vmem>>) semaphore(%arg10 : memref<!tpu.dma_semaphore, #tpu.memory_space<semaphore_mem>>)
      } else {
      }
      %dma_wait3A_100 = arith.constant 1 : i32
      %dma_wait3A_101 = arith.constant 0 : i32
      %dma_wait3A_102 = arith.constant 0 : i32
      %dma_wait3A_103 = tpu.memref_slice %arg7[%dma_wait3A_100, %dma_wait3A_101, %dma_wait3A_102] : memref<2x128x128xf32, #tpu.memory_space<vmem>> -> memref<1x128x128xf32, #tpu.memory_space<vmem>>
      %dma_wait3A_104 = tpu.memref_squeeze %dma_wait3A_103 : memref<1x128x128xf32, #tpu.memory_space<vmem>> -> memref<128x128xf32, #tpu.memory_space<vmem>>
      %dma_wait3A_105 = arith.constant 0 : i32
      %dma_wait3A_106 = tpu.memref_slice %arg6[%add3A_94, %dma_wait3A_105] : memref<200x128xi32, #tpu.memory_space<vmem>> -> memref<1x128xi32, #tpu.memory_space<vmem>>
      %dma_wait3A_107 = tpu.memref_squeeze %dma_wait3A_106 : memref<1x128xi32, #tpu.memory_space<vmem>> -> memref<128xi32, #tpu.memory_space<vmem>>
      %dma_wait3A_108 = arith.constant 0 : i32
      %dma_wait3A_109 = arith.constant 0 : i32
      %dma_wait3A_110 = tpu.memref_slice %arg3[%dma_wait3A_108, %dma_wait3A_109] : memref<1000000x128xf32, #tpu.memory_space<hbm>> -> memref<1000000x128xf32, #tpu.memory_space<hbm>>
      tpu.wait_indirect_dma semaphore(%arg10 : memref<!tpu.dma_semaphore, #tpu.memory_space<semaphore_mem>>) src(%dma_wait3A_110 : memref<1000000x128xf32, #tpu.memory_space<hbm>>) dst(%dma_wait3A_104 : memref<128x128xf32, #tpu.memory_space<vmem>>)
      %ge3A_111 = arith.constant 2 : i32
      %ge3A_112 = arith.cmpi sge, %add3A_94, %ge3A_111 : i32
      %convert_element_type3A_113 = arith.extui %ge3A_112 : i1 to i32
      %cond3A_114 = arith.constant 0 : i32
      %cond3A_115 = arith.cmpi ne, %convert_element_type3A_113, %cond3A_114 : i32
      scf.if %cond3A_115 {
        %sub3A = arith.constant 2 : i32
        %sub3A_136 = arith.subi %add3A_94, %sub3A : i32
        %dma_wait3A_137 = arith.constant 1 : i32
        %dma_wait3A_138 = arith.constant 0 : i32
        %dma_wait3A_139 = arith.constant 0 : i32
        %dma_wait3A_140 = tpu.memref_slice %arg8[%dma_wait3A_137, %dma_wait3A_138, %dma_wait3A_139] : memref<2x64x128xf32, #tpu.memory_space<vmem>> -> memref<1x64x128xf32, #tpu.memory_space<vmem>>
        %dma_wait3A_141 = tpu.memref_squeeze %dma_wait3A_140 : memref<1x64x128xf32, #tpu.memory_space<vmem>> -> memref<64x128xf32, #tpu.memory_space<vmem>>
        %dma_wait3A_142 = arith.constant 0 : i32
        %dma_wait3A_143 = tpu.memref_slice %arg5[%sub3A_136, %dma_wait3A_142, %mul3A_2] : memref<200x64x4096xf32, #tpu.memory_space<hbm>> -> memref<1x64x128xf32, #tpu.memory_space<hbm>>
        %dma_wait3A_144 = tpu.memref_squeeze %dma_wait3A_143 : memref<1x64x128xf32, #tpu.memory_space<hbm>> -> memref<64x128xf32, #tpu.memory_space<hbm>>
        %dma_wait3A_145 = arith.constant 0 : i32
        %dma_wait3A_146 = tpu.memref_slice %arg5[%sub3A_136, %dma_wait3A_145, %mul3A_2] : memref<200x64x4096xf32, #tpu.memory_space<hbm>> -> memref<1x64x128xf32, #tpu.memory_space<hbm>>
        %dma_wait3A_147 = tpu.memref_squeeze %dma_wait3A_146 : memref<1x64x128xf32, #tpu.memory_space<hbm>> -> memref<64x128xf32, #tpu.memory_space<hbm>>
        %dma_wait3A_148 = arith.constant 0 : i32
        %dma_wait3A_149 = arith.constant 0 : i32
        %dma_wait3A_150 = tpu.memref_slice %arg8[%dma_wait3A_137, %dma_wait3A_148, %dma_wait3A_149] : memref<2x64x128xf32, #tpu.memory_space<vmem>> -> memref<1x64x128xf32, #tpu.memory_space<vmem>>
        %dma_wait3A_151 = tpu.memref_squeeze %dma_wait3A_150 : memref<1x64x128xf32, #tpu.memory_space<vmem>> -> memref<64x128xf32, #tpu.memory_space<vmem>>
        tpu.wait_dma2 semaphore(%arg11 : memref<!tpu.dma_semaphore, #tpu.memory_space<semaphore_mem>>) src(%dma_wait3A_151 : memref<64x128xf32, #tpu.memory_space<vmem>>) dst(%dma_wait3A_147 : memref<64x128xf32, #tpu.memory_space<hbm>>)
      } else {
      }
      %parallel_loop3A_116 = arith.constant 0 : i32
      %parallel_loop3A_117 = arith.constant 64 : i32
      %parallel_loop3A_118 = arith.constant 1 : i32
      %parallel_loop3A_119 = arith.constant 1 : i32
      %parallel_loop3A_120 = arith.constant 1 : i32
      scf.for %parallel_loop3A_136 = %parallel_loop3A_116 to %parallel_loop3A_117 step %parallel_loop3A_118  : i32 {
        %parallel_loop3A_137 = arith.constant 0 : i32
        %parallel_loop3A_138 = vector.broadcast %parallel_loop3A_137 : i32 to vector<16xi32>
        %parallel_loop3A_139 = arith.muli %iota3A, %parallel_loop3A_138 : vector<16xi32>
        %parallel_loop3A_140 = vector.broadcast %parallel_loop3A_136 : i32 to vector<16xi32>
        %parallel_loop3A_141 = arith.addi %parallel_loop3A_139, %parallel_loop3A_140 : vector<16xi32>
        %parallel_loop3A_142 = arith.constant 64 : i32
        %parallel_loop3A_143 = arith.muli %add3A_94, %parallel_loop3A_142 : i32
        %parallel_loop3A_144 = vector.broadcast %parallel_loop3A_143 : i32 to vector<16xi32>
        %parallel_loop3A_145 = arith.addi %parallel_loop3A_144, %parallel_loop3A_141 : vector<16xi32>
        %parallel_loop3A_146 = tpu.vector_load_idx %arg9[%parallel_loop3A_145] : memref<12800xf32, #tpu.memory_space<vmem>>[vector<16xi32>], vector<16xf32>,
        %parallel_loop3A_147 = arith.constant 0 : i32
        %parallel_loop3A_148 = vector.broadcast %parallel_loop3A_147 : i32 to vector<16xi32>
        %parallel_loop3A_149 = arith.addi %iota3A, %parallel_loop3A_148 : vector<16xi32>
        %parallel_loop3A_150 = arith.constant 0 : i32
        %parallel_loop3A_151 = arith.constant 0 : i32
        %parallel_loop3A_152 = tpu.memref_slice %arg7[%parallel_loop3A_119, %parallel_loop3A_150, %parallel_loop3A_151] : memref<2x128x128xf32, #tpu.memory_space<vmem>> -> memref<1x128x128xf32, #tpu.memory_space<vmem>>
        %parallel_loop3A_153 = tpu.memref_squeeze %parallel_loop3A_152 : memref<1x128x128xf32, #tpu.memory_space<vmem>> -> memref<128x128xf32, #tpu.memory_space<vmem>>
        %parallel_loop3A_154 = tpu.vector_load_idx %parallel_loop3A_153[%parallel_loop3A_149, %parallel_loop3A_141] : memref<128x128xf32, #tpu.memory_space<vmem>>[vector<16xi32>, vector<16xi32>], vector<16xf32>,
        %parallel_loop3A_155 = arith.addf %parallel_loop3A_154, %parallel_loop3A_146 : vector<16xf32>
        %parallel_loop3A_156 = arith.constant 0 : i32
        %parallel_loop3A_157 = arith.constant 0 : i32
        %parallel_loop3A_158 = tpu.memref_slice %arg8[%parallel_loop3A_120, %parallel_loop3A_156, %parallel_loop3A_157] : memref<2x64x128xf32, #tpu.memory_space<vmem>> -> memref<1x64x128xf32, #tpu.memory_space<vmem>>
        %parallel_loop3A_159 = tpu.memref_squeeze %parallel_loop3A_158 : memref<1x64x128xf32, #tpu.memory_space<vmem>> -> memref<64x128xf32, #tpu.memory_space<vmem>>
        %parallel_loop3A_160 = arith.index_cast %parallel_loop3A_136 : i32 to index
        %parallel_loop3A_161 = arith.constant 0 : index
        %parallel_loop3A_162 = tpu.vector_load %parallel_loop3A_159[%parallel_loop3A_160, %parallel_loop3A_161] {strides = array<i32>} : memref<64x128xf32, #tpu.memory_space<vmem>>, vector<16xf32>,
        tpu.vector_store %parallel_loop3A_159[%parallel_loop3A_160, %parallel_loop3A_161], %parallel_loop3A_155 {strides = array<i32>} : memref<64x128xf32, #tpu.memory_space<vmem>>, vector<16xf32>,
        %parallel_loop3A_163 = arith.constant 16 : i32
        %parallel_loop3A_164 = vector.broadcast %parallel_loop3A_163 : i32 to vector<16xi32>
        %parallel_loop3A_165 = arith.addi %iota3A, %parallel_loop3A_164 : vector<16xi32>
        %parallel_loop3A_166 = arith.constant 0 : i32
        %parallel_loop3A_167 = arith.constant 0 : i32
        %parallel_loop3A_168 = tpu.memref_slice %arg7[%parallel_loop3A_119, %parallel_loop3A_166, %parallel_loop3A_167] : memref<2x128x128xf32, #tpu.memory_space<vmem>> -> memref<1x128x128xf32, #tpu.memory_space<vmem>>
        %parallel_loop3A_169 = tpu.memref_squeeze %parallel_loop3A_168 : memref<1x128x128xf32, #tpu.memory_space<vmem>> -> memref<128x128xf32, #tpu.memory_space<vmem>>
        %parallel_loop3A_170 = tpu.vector_load_idx %parallel_loop3A_169[%parallel_loop3A_165, %parallel_loop3A_141] : memref<128x128xf32, #tpu.memory_space<vmem>>[vector<16xi32>, vector<16xi32>], vector<16xf32>,
        %parallel_loop3A_171 = arith.addf %parallel_loop3A_170, %parallel_loop3A_146 : vector<16xf32>
        %parallel_loop3A_172 = arith.constant 0 : i32
        %parallel_loop3A_173 = arith.constant 0 : i32
        %parallel_loop3A_174 = tpu.memref_slice %arg8[%parallel_loop3A_120, %parallel_loop3A_172, %parallel_loop3A_173] : memref<2x64x128xf32, #tpu.memory_space<vmem>> -> memref<1x64x128xf32, #tpu.memory_space<vmem>>
        %parallel_loop3A_175 = tpu.memref_squeeze %parallel_loop3A_174 : memref<1x64x128xf32, #tpu.memory_space<vmem>> -> memref<64x128xf32, #tpu.memory_space<vmem>>
        %parallel_loop3A_176 = arith.index_cast %parallel_loop3A_136 : i32 to index
        %parallel_loop3A_177 = arith.constant 16 : index
        %parallel_loop3A_178 = tpu.vector_load %parallel_loop3A_175[%parallel_loop3A_176, %parallel_loop3A_177] {strides = array<i32>} : memref<64x128xf32, #tpu.memory_space<vmem>>, vector<16xf32>,
        tpu.vector_store %parallel_loop3A_175[%parallel_loop3A_176, %parallel_loop3A_177], %parallel_loop3A_171 {strides = array<i32>} : memref<64x128xf32, #tpu.memory_space<vmem>>, vector<16xf32>,
        %parallel_loop3A_179 = arith.constant 32 : i32
        %parallel_loop3A_180 = vector.broadcast %parallel_loop3A_179 : i32 to vector<16xi32>
        %parallel_loop3A_181 = arith.addi %iota3A, %parallel_loop3A_180 : vector<16xi32>
        %parallel_loop3A_182 = arith.constant 0 : i32
        %parallel_loop3A_183 = arith.constant 0 : i32
        %parallel_loop3A_184 = tpu.memref_slice %arg7[%parallel_loop3A_119, %parallel_loop3A_182, %parallel_loop3A_183] : memref<2x128x128xf32, #tpu.memory_space<vmem>> -> memref<1x128x128xf32, #tpu.memory_space<vmem>>
        %parallel_loop3A_185 = tpu.memref_squeeze %parallel_loop3A_184 : memref<1x128x128xf32, #tpu.memory_space<vmem>> -> memref<128x128xf32, #tpu.memory_space<vmem>>
        %parallel_loop3A_186 = tpu.vector_load_idx %parallel_loop3A_185[%parallel_loop3A_181, %parallel_loop3A_141] : memref<128x128xf32, #tpu.memory_space<vmem>>[vector<16xi32>, vector<16xi32>], vector<16xf32>,
        %parallel_loop3A_187 = arith.addf %parallel_loop3A_186, %parallel_loop3A_146 : vector<16xf32>
        %parallel_loop3A_188 = arith.constant 0 : i32
        %parallel_loop3A_189 = arith.constant 0 : i32
        %parallel_loop3A_190 = tpu.memref_slice %arg8[%parallel_loop3A_120, %parallel_loop3A_188, %parallel_loop3A_189] : memref<2x64x128xf32, #tpu.memory_space<vmem>> -> memref<1x64x128xf32, #tpu.memory_space<vmem>>
        %parallel_loop3A_191 = tpu.memref_squeeze %parallel_loop3A_190 : memref<1x64x128xf32, #tpu.memory_space<vmem>> -> memref<64x128xf32, #tpu.memory_space<vmem>>
        %parallel_loop3A_192 = arith.index_cast %parallel_loop3A_136 : i32 to index
        %parallel_loop3A_193 = arith.constant 32 : index
        %parallel_loop3A_194 = tpu.vector_load %parallel_loop3A_191[%parallel_loop3A_192, %parallel_loop3A_193] {strides = array<i32>} : memref<64x128xf32, #tpu.memory_space<vmem>>, vector<16xf32>,
        tpu.vector_store %parallel_loop3A_191[%parallel_loop3A_192, %parallel_loop3A_193], %parallel_loop3A_187 {strides = array<i32>} : memref<64x128xf32, #tpu.memory_space<vmem>>, vector<16xf32>,
        %parallel_loop3A_195 = arith.constant 48 : i32
        %parallel_loop3A_196 = vector.broadcast %parallel_loop3A_195 : i32 to vector<16xi32>
        %parallel_loop3A_197 = arith.addi %iota3A, %parallel_loop3A_196 : vector<16xi32>
        %parallel_loop3A_198 = arith.constant 0 : i32
        %parallel_loop3A_199 = arith.constant 0 : i32
        %parallel_loop3A_200 = tpu.memref_slice %arg7[%parallel_loop3A_119, %parallel_loop3A_198, %parallel_loop3A_199] : memref<2x128x128xf32, #tpu.memory_space<vmem>> -> memref<1x128x128xf32, #tpu.memory_space<vmem>>
        %parallel_loop3A_201 = tpu.memref_squeeze %parallel_loop3A_200 : memref<1x128x128xf32, #tpu.memory_space<vmem>> -> memref<128x128xf32, #tpu.memory_space<vmem>>
        %parallel_loop3A_202 = tpu.vector_load_idx %parallel_loop3A_201[%parallel_loop3A_197, %parallel_loop3A_141] : memref<128x128xf32, #tpu.memory_space<vmem>>[vector<16xi32>, vector<16xi32>], vector<16xf32>,
        %parallel_loop3A_203 = arith.addf %parallel_loop3A_202, %parallel_loop3A_146 : vector<16xf32>
        %parallel_loop3A_204 = arith.constant 0 : i32
        %parallel_loop3A_205 = arith.constant 0 : i32
        %parallel_loop3A_206 = tpu.memref_slice %arg8[%parallel_loop3A_120, %parallel_loop3A_204, %parallel_loop3A_205] : memref<2x64x128xf32, #tpu.memory_space<vmem>> -> memref<1x64x128xf32, #tpu.memory_space<vmem>>
        %parallel_loop3A_207 = tpu.memref_squeeze %parallel_loop3A_206 : memref<1x64x128xf32, #tpu.memory_space<vmem>> -> memref<64x128xf32, #tpu.memory_space<vmem>>
        %parallel_loop3A_208 = arith.index_cast %parallel_loop3A_136 : i32 to index
        %parallel_loop3A_209 = arith.constant 48 : index
        %parallel_loop3A_210 = tpu.vector_load %parallel_loop3A_207[%parallel_loop3A_208, %parallel_loop3A_209] {strides = array<i32>} : memref<64x128xf32, #tpu.memory_space<vmem>>, vector<16xf32>,
        tpu.vector_store %parallel_loop3A_207[%parallel_loop3A_208, %parallel_loop3A_209], %parallel_loop3A_203 {strides = array<i32>} : memref<64x128xf32, #tpu.memory_space<vmem>>, vector<16xf32>,
        %parallel_loop3A_211 = arith.constant 64 : i32
        %parallel_loop3A_212 = vector.broadcast %parallel_loop3A_211 : i32 to vector<16xi32>
        %parallel_loop3A_213 = arith.addi %iota3A, %parallel_loop3A_212 : vector<16xi32>
        %parallel_loop3A_214 = arith.constant 0 : i32
        %parallel_loop3A_215 = arith.constant 0 : i32
        %parallel_loop3A_216 = tpu.memref_slice %arg7[%parallel_loop3A_119, %parallel_loop3A_214, %parallel_loop3A_215] : memref<2x128x128xf32, #tpu.memory_space<vmem>> -> memref<1x128x128xf32, #tpu.memory_space<vmem>>
        %parallel_loop3A_217 = tpu.memref_squeeze %parallel_loop3A_216 : memref<1x128x128xf32, #tpu.memory_space<vmem>> -> memref<128x128xf32, #tpu.memory_space<vmem>>
        %parallel_loop3A_218 = tpu.vector_load_idx %parallel_loop3A_217[%parallel_loop3A_213, %parallel_loop3A_141] : memref<128x128xf32, #tpu.memory_space<vmem>>[vector<16xi32>, vector<16xi32>], vector<16xf32>,
        %parallel_loop3A_219 = arith.addf %parallel_loop3A_218, %parallel_loop3A_146 : vector<16xf32>
        %parallel_loop3A_220 = arith.constant 0 : i32
        %parallel_loop3A_221 = arith.constant 0 : i32
        %parallel_loop3A_222 = tpu.memref_slice %arg8[%parallel_loop3A_120, %parallel_loop3A_220, %parallel_loop3A_221] : memref<2x64x128xf32, #tpu.memory_space<vmem>> -> memref<1x64x128xf32, #tpu.memory_space<vmem>>
        %parallel_loop3A_223 = tpu.memref_squeeze %parallel_loop3A_222 : memref<1x64x128xf32, #tpu.memory_space<vmem>> -> memref<64x128xf32, #tpu.memory_space<vmem>>
        %parallel_loop3A_224 = arith.index_cast %parallel_loop3A_136 : i32 to index
        %parallel_loop3A_225 = arith.constant 64 : index
        %parallel_loop3A_226 = tpu.vector_load %parallel_loop3A_223[%parallel_loop3A_224, %parallel_loop3A_225] {strides = array<i32>} : memref<64x128xf32, #tpu.memory_space<vmem>>, vector<16xf32>,
        tpu.vector_store %parallel_loop3A_223[%parallel_loop3A_224, %parallel_loop3A_225], %parallel_loop3A_219 {strides = array<i32>} : memref<64x128xf32, #tpu.memory_space<vmem>>, vector<16xf32>,
        %parallel_loop3A_227 = arith.constant 80 : i32
        %parallel_loop3A_228 = vector.broadcast %parallel_loop3A_227 : i32 to vector<16xi32>
        %parallel_loop3A_229 = arith.addi %iota3A, %parallel_loop3A_228 : vector<16xi32>
        %parallel_loop3A_230 = arith.constant 0 : i32
        %parallel_loop3A_231 = arith.constant 0 : i32
        %parallel_loop3A_232 = tpu.memref_slice %arg7[%parallel_loop3A_119, %parallel_loop3A_230, %parallel_loop3A_231] : memref<2x128x128xf32, #tpu.memory_space<vmem>> -> memref<1x128x128xf32, #tpu.memory_space<vmem>>
        %parallel_loop3A_233 = tpu.memref_squeeze %parallel_loop3A_232 : memref<1x128x128xf32, #tpu.memory_space<vmem>> -> memref<128x128xf32, #tpu.memory_space<vmem>>
        %parallel_loop3A_234 = tpu.vector_load_idx %parallel_loop3A_233[%parallel_loop3A_229, %parallel_loop3A_141] : memref<128x128xf32, #tpu.memory_space<vmem>>[vector<16xi32>, vector<16xi32>], vector<16xf32>,
        %parallel_loop3A_235 = arith.addf %parallel_loop3A_234, %parallel_loop3A_146 : vector<16xf32>
        %parallel_loop3A_236 = arith.constant 0 : i32
        %parallel_loop3A_237 = arith.constant 0 : i32
        %parallel_loop3A_238 = tpu.memref_slice %arg8[%parallel_loop3A_120, %parallel_loop3A_236, %parallel_loop3A_237] : memref<2x64x128xf32, #tpu.memory_space<vmem>> -> memref<1x64x128xf32, #tpu.memory_space<vmem>>
        %parallel_loop3A_239 = tpu.memref_squeeze %parallel_loop3A_238 : memref<1x64x128xf32, #tpu.memory_space<vmem>> -> memref<64x128xf32, #tpu.memory_space<vmem>>
        %parallel_loop3A_240 = arith.index_cast %parallel_loop3A_136 : i32 to index
        %parallel_loop3A_241 = arith.constant 80 : index
        %parallel_loop3A_242 = tpu.vector_load %parallel_loop3A_239[%parallel_loop3A_240, %parallel_loop3A_241] {strides = array<i32>} : memref<64x128xf32, #tpu.memory_space<vmem>>, vector<16xf32>,
        tpu.vector_store %parallel_loop3A_239[%parallel_loop3A_240, %parallel_loop3A_241], %parallel_loop3A_235 {strides = array<i32>} : memref<64x128xf32, #tpu.memory_space<vmem>>, vector<16xf32>,
        %parallel_loop3A_243 = arith.constant 96 : i32
        %parallel_loop3A_244 = vector.broadcast %parallel_loop3A_243 : i32 to vector<16xi32>
        %parallel_loop3A_245 = arith.addi %iota3A, %parallel_loop3A_244 : vector<16xi32>
        %parallel_loop3A_246 = arith.constant 0 : i32
        %parallel_loop3A_247 = arith.constant 0 : i32
        %parallel_loop3A_248 = tpu.memref_slice %arg7[%parallel_loop3A_119, %parallel_loop3A_246, %parallel_loop3A_247] : memref<2x128x128xf32, #tpu.memory_space<vmem>> -> memref<1x128x128xf32, #tpu.memory_space<vmem>>
        %parallel_loop3A_249 = tpu.memref_squeeze %parallel_loop3A_248 : memref<1x128x128xf32, #tpu.memory_space<vmem>> -> memref<128x128xf32, #tpu.memory_space<vmem>>
        %parallel_loop3A_250 = tpu.vector_load_idx %parallel_loop3A_249[%parallel_loop3A_245, %parallel_loop3A_141] : memref<128x128xf32, #tpu.memory_space<vmem>>[vector<16xi32>, vector<16xi32>], vector<16xf32>,
        %parallel_loop3A_251 = arith.addf %parallel_loop3A_250, %parallel_loop3A_146 : vector<16xf32>
        %parallel_loop3A_252 = arith.constant 0 : i32
        %parallel_loop3A_253 = arith.constant 0 : i32
        %parallel_loop3A_254 = tpu.memref_slice %arg8[%parallel_loop3A_120, %parallel_loop3A_252, %parallel_loop3A_253] : memref<2x64x128xf32, #tpu.memory_space<vmem>> -> memref<1x64x128xf32, #tpu.memory_space<vmem>>
        %parallel_loop3A_255 = tpu.memref_squeeze %parallel_loop3A_254 : memref<1x64x128xf32, #tpu.memory_space<vmem>> -> memref<64x128xf32, #tpu.memory_space<vmem>>
        %parallel_loop3A_256 = arith.index_cast %parallel_loop3A_136 : i32 to index
        %parallel_loop3A_257 = arith.constant 96 : index
        %parallel_loop3A_258 = tpu.vector_load %parallel_loop3A_255[%parallel_loop3A_256, %parallel_loop3A_257] {strides = array<i32>} : memref<64x128xf32, #tpu.memory_space<vmem>>, vector<16xf32>,
        tpu.vector_store %parallel_loop3A_255[%parallel_loop3A_256, %parallel_loop3A_257], %parallel_loop3A_251 {strides = array<i32>} : memref<64x128xf32, #tpu.memory_space<vmem>>, vector<16xf32>,
        %parallel_loop3A_259 = arith.constant 112 : i32
        %parallel_loop3A_260 = vector.broadcast %parallel_loop3A_259 : i32 to vector<16xi32>
        %parallel_loop3A_261 = arith.addi %iota3A, %parallel_loop3A_260 : vector<16xi32>
        %parallel_loop3A_262 = arith.constant 0 : i32
        %parallel_loop3A_263 = arith.constant 0 : i32
        %parallel_loop3A_264 = tpu.memref_slice %arg7[%parallel_loop3A_119, %parallel_loop3A_262, %parallel_loop3A_263] : memref<2x128x128xf32, #tpu.memory_space<vmem>> -> memref<1x128x128xf32, #tpu.memory_space<vmem>>
        %parallel_loop3A_265 = tpu.memref_squeeze %parallel_loop3A_264 : memref<1x128x128xf32, #tpu.memory_space<vmem>> -> memref<128x128xf32, #tpu.memory_space<vmem>>
        %parallel_loop3A_266 = tpu.vector_load_idx %parallel_loop3A_265[%parallel_loop3A_261, %parallel_loop3A_141] : memref<128x128xf32, #tpu.memory_space<vmem>>[vector<16xi32>, vector<16xi32>], vector<16xf32>,
        %parallel_loop3A_267 = arith.addf %parallel_loop3A_266, %parallel_loop3A_146 : vector<16xf32>
        %parallel_loop3A_268 = arith.constant 0 : i32
        %parallel_loop3A_269 = arith.constant 0 : i32
        %parallel_loop3A_270 = tpu.memref_slice %arg8[%parallel_loop3A_120, %parallel_loop3A_268, %parallel_loop3A_269] : memref<2x64x128xf32, #tpu.memory_space<vmem>> -> memref<1x64x128xf32, #tpu.memory_space<vmem>>
        %parallel_loop3A_271 = tpu.memref_squeeze %parallel_loop3A_270 : memref<1x64x128xf32, #tpu.memory_space<vmem>> -> memref<64x128xf32, #tpu.memory_space<vmem>>
        %parallel_loop3A_272 = arith.index_cast %parallel_loop3A_136 : i32 to index
        %parallel_loop3A_273 = arith.constant 112 : index
        %parallel_loop3A_274 = tpu.vector_load %parallel_loop3A_271[%parallel_loop3A_272, %parallel_loop3A_273] {strides = array<i32>} : memref<64x128xf32, #tpu.memory_space<vmem>>, vector<16xf32>,
        tpu.vector_store %parallel_loop3A_271[%parallel_loop3A_272, %parallel_loop3A_273], %parallel_loop3A_267 {strides = array<i32>} : memref<64x128xf32, #tpu.memory_space<vmem>>, vector<16xf32>,
      } {sc.loop_unroll_factor = 4 : i64, sc.parallel_access}
      %dma_start3A_121 = arith.constant 1 : i32
      %dma_start3A_122 = arith.constant 0 : i32
      %dma_start3A_123 = arith.constant 0 : i32
      %dma_start3A_124 = tpu.memref_slice %arg8[%dma_start3A_121, %dma_start3A_122, %dma_start3A_123] : memref<2x64x128xf32, #tpu.memory_space<vmem>> -> memref<1x64x128xf32, #tpu.memory_space<vmem>>
      %dma_start3A_125 = tpu.memref_squeeze %dma_start3A_124 : memref<1x64x128xf32, #tpu.memory_space<vmem>> -> memref<64x128xf32, #tpu.memory_space<vmem>>
      %dma_start3A_126 = arith.constant 0 : i32
      %dma_start3A_127 = tpu.memref_slice %arg5[%add3A_94, %dma_start3A_126, %mul3A_2] : memref<200x64x4096xf32, #tpu.memory_space<hbm>> -> memref<1x64x128xf32, #tpu.memory_space<hbm>>
      %dma_start3A_128 = tpu.memref_squeeze %dma_start3A_127 : memref<1x64x128xf32, #tpu.memory_space<hbm>> -> memref<64x128xf32, #tpu.memory_space<hbm>>
      %dma_start3A_129 = arith.constant 0 : i32
      %dma_start3A_130 = tpu.memref_slice %arg5[%add3A_94, %dma_start3A_129, %mul3A_2] : memref<200x64x4096xf32, #tpu.memory_space<hbm>> -> memref<1x64x128xf32, #tpu.memory_space<hbm>>
      %dma_start3A_131 = tpu.memref_squeeze %dma_start3A_130 : memref<1x64x128xf32, #tpu.memory_space<hbm>> -> memref<64x128xf32, #tpu.memory_space<hbm>>
      %dma_start3A_132 = arith.constant 0 : i32
      %dma_start3A_133 = arith.constant 0 : i32
      %dma_start3A_134 = tpu.memref_slice %arg8[%dma_start3A_121, %dma_start3A_132, %dma_start3A_133] : memref<2x64x128xf32, #tpu.memory_space<vmem>> -> memref<1x64x128xf32, #tpu.memory_space<vmem>>
      %dma_start3A_135 = tpu.memref_squeeze %dma_start3A_134 : memref<1x64x128xf32, #tpu.memory_space<vmem>> -> memref<64x128xf32, #tpu.memory_space<vmem>>
      tpu.enqueue_dma source(%dma_start3A_135 : memref<64x128xf32, #tpu.memory_space<vmem>>) target(%dma_start3A_131 : memref<64x128xf32, #tpu.memory_space<hbm>>) target_semaphore(%arg11 : memref<!tpu.dma_semaphore, #tpu.memory_space<semaphore_mem>>)
    }
    %scan3A_18 = arith.constant 100 : i32
    %dma_wait3A = arith.constant 0 : i32
    %dma_wait3A_19 = arith.constant 198 : i32
    %dma_wait3A_20 = arith.constant 0 : i32
    %dma_wait3A_21 = arith.constant 0 : i32
    %dma_wait3A_22 = tpu.memref_slice %arg8[%dma_wait3A, %dma_wait3A_20, %dma_wait3A_21] : memref<2x64x128xf32, #tpu.memory_space<vmem>> -> memref<1x64x128xf32, #tpu.memory_space<vmem>>
    %dma_wait3A_23 = tpu.memref_squeeze %dma_wait3A_22 : memref<1x64x128xf32, #tpu.memory_space<vmem>> -> memref<64x128xf32, #tpu.memory_space<vmem>>
    %dma_wait3A_24 = arith.constant 0 : i32
    %dma_wait3A_25 = tpu.memref_slice %arg5[%dma_wait3A_19, %dma_wait3A_24, %mul3A_2] : memref<200x64x4096xf32, #tpu.memory_space<hbm>> -> memref<1x64x128xf32, #tpu.memory_space<hbm>>
    %dma_wait3A_26 = tpu.memref_squeeze %dma_wait3A_25 : memref<1x64x128xf32, #tpu.memory_space<hbm>> -> memref<64x128xf32, #tpu.memory_space<hbm>>
    %dma_wait3A_27 = arith.constant 0 : i32
    %dma_wait3A_28 = tpu.memref_slice %arg5[%dma_wait3A_19, %dma_wait3A_27, %mul3A_2] : memref<200x64x4096xf32, #tpu.memory_space<hbm>> -> memref<1x64x128xf32, #tpu.memory_space<hbm>>
    %dma_wait3A_29 = tpu.memref_squeeze %dma_wait3A_28 : memref<1x64x128xf32, #tpu.memory_space<hbm>> -> memref<64x128xf32, #tpu.memory_space<hbm>>
    %dma_wait3A_30 = arith.constant 0 : i32
    %dma_wait3A_31 = arith.constant 0 : i32
    %dma_wait3A_32 = tpu.memref_slice %arg8[%dma_wait3A, %dma_wait3A_30, %dma_wait3A_31] : memref<2x64x128xf32, #tpu.memory_space<vmem>> -> memref<1x64x128xf32, #tpu.memory_space<vmem>>
    %dma_wait3A_33 = tpu.memref_squeeze %dma_wait3A_32 : memref<1x64x128xf32, #tpu.memory_space<vmem>> -> memref<64x128xf32, #tpu.memory_space<vmem>>
    tpu.wait_dma2 semaphore(%arg11 : memref<!tpu.dma_semaphore, #tpu.memory_space<semaphore_mem>>) src(%dma_wait3A_33 : memref<64x128xf32, #tpu.memory_space<vmem>>) dst(%dma_wait3A_29 : memref<64x128xf32, #tpu.memory_space<hbm>>)
    %dma_wait3A_34 = arith.constant 1 : i32
    %dma_wait3A_35 = arith.constant 199 : i32
    %dma_wait3A_36 = arith.constant 0 : i32
    %dma_wait3A_37 = arith.constant 0 : i32
    %dma_wait3A_38 = tpu.memref_slice %arg8[%dma_wait3A_34, %dma_wait3A_36, %dma_wait3A_37] : memref<2x64x128xf32, #tpu.memory_space<vmem>> -> memref<1x64x128xf32, #tpu.memory_space<vmem>>
    %dma_wait3A_39 = tpu.memref_squeeze %dma_wait3A_38 : memref<1x64x128xf32, #tpu.memory_space<vmem>> -> memref<64x128xf32, #tpu.memory_space<vmem>>
    %dma_wait3A_40 = arith.constant 0 : i32
    %dma_wait3A_41 = tpu.memref_slice %arg5[%dma_wait3A_35, %dma_wait3A_40, %mul3A_2] : memref<200x64x4096xf32, #tpu.memory_space<hbm>> -> memref<1x64x128xf32, #tpu.memory_space<hbm>>
    %dma_wait3A_42 = tpu.memref_squeeze %dma_wait3A_41 : memref<1x64x128xf32, #tpu.memory_space<hbm>> -> memref<64x128xf32, #tpu.memory_space<hbm>>
    %dma_wait3A_43 = arith.constant 0 : i32
    %dma_wait3A_44 = tpu.memref_slice %arg5[%dma_wait3A_35, %dma_wait3A_43, %mul3A_2] : memref<200x64x4096xf32, #tpu.memory_space<hbm>> -> memref<1x64x128xf32, #tpu.memory_space<hbm>>
    %dma_wait3A_45 = tpu.memref_squeeze %dma_wait3A_44 : memref<1x64x128xf32, #tpu.memory_space<hbm>> -> memref<64x128xf32, #tpu.memory_space<hbm>>
    %dma_wait3A_46 = arith.constant 0 : i32
    %dma_wait3A_47 = arith.constant 0 : i32
    %dma_wait3A_48 = tpu.memref_slice %arg8[%dma_wait3A_34, %dma_wait3A_46, %dma_wait3A_47] : memref<2x64x128xf32, #tpu.memory_space<vmem>> -> memref<1x64x128xf32, #tpu.memory_space<vmem>>
    %dma_wait3A_49 = tpu.memref_squeeze %dma_wait3A_48 : memref<1x64x128xf32, #tpu.memory_space<vmem>> -> memref<64x128xf32, #tpu.memory_space<vmem>>
    tpu.wait_dma2 semaphore(%arg11 : memref<!tpu.dma_semaphore, #tpu.memory_space<semaphore_mem>>) src(%dma_wait3A_49 : memref<64x128xf32, #tpu.memory_space<vmem>>) dst(%dma_wait3A_45 : memref<64x128xf32, #tpu.memory_space<hbm>>)
    return
  }
}

</mosaic_0001>

<sc_bundles>
// kernel: kernel.3.cloned.1.call-start
scs
__scs_entry_jumppad:
0x0: {  	(pc) =	sbr.rel $0x88, $3  }
0x1: {  	(tag) =	ssettag $0x0;
	lr =	simm.s32 $0x1  }
0x2: {  	[smem:$0x3F9F] =	sst lr;
	_ =	strace $0xD0000000  }
0x3: {  	_ = 	snop  }
0x4: {  	_ = 	snop  }
0x5: {  	_ = 	snop  }
0x6: {  	_ = 	snop  }
0x7: {  	_ = 	snop  }
__scs_overlays_trampoline_lowered:
0x8: {  	[smem:$0x3FAE] =	sst s0  }
0x9: {  	[smem:$0x3FAF] =	sst s1  }
0xa: {  	[smem:$0x3FB0] =	sst s2  }
0xb: {  	[smem:$0x3FB1] =	sst s3  }
0xc: {  	[smem:$0x3FB2] =	sst s4  }
0xd: {  	[smem:$0x3FB3] =	sst s5  }
0xe: {  	[smem:$0x3FB4] =	sst s6  }
0xf: {  	[smem:$0x3FB5] =	sst s7  }
0x10: {  	[smem:$0x3FB6] =	sst s8  }
0x11: {  	[smem:$0x3FB7] =	sst s9;
	s0 =	simm.s32 @!p0 $0x0  }
0x12: {  	s1 =	sld [smem:$0x3F9D];
	s0 =	simm.s32 @p0 $0x1  }
0x13: {  	[smem:$0x3FB8] =	sst s0;
	s0 =	simm.s32 @!p1 $0x0  }
0x14: {  	s2 =	sld [smem:$0x3F9C];
	s0 =	simm.s32 @p1 $0x1  }
0x15: {  	[smem:$0x3FB9] =	sst s0;
	s0 =	simm.s32 @!p2 $0x0  }
0x16: {  	s3 =	sld [smem:$0x3FDB];
	s0 =	simm.s32 @p2 $0x1  }
0x17: {  	s4 =	simm.s32 $0x1BF5;
	[smem:$0x3FBB] =	sst s0  }
0x18: {  	s0 =	sld [smem:$0x3F9E];
	_ =	swait.ge [sflag:s4], $0x0  }
0x19: {  	s7 =	sld [smem:$0x3F9F]  }
0x1a: {  	s8 =	sadd.s32 $0xFFFFE003, lr  }
0x1b: {  	s9 =	sadd.s32 $0xFFFFFEF7, lr;
	s5 =	simm.s32 $0xFFFFFFFF;
	p2 =	slt.u32 s8, $0xFFFFF086  }
0x1c: {  	p1 =	slt.u32 s9, $0xF7A;
	s5 =	simm.s32 @!p2 $0x0  }
0x1d: {  	s5 =	simm.s32 @p1 $0x1;
	p0 =	seq.s32 s7, s2  }
0x1e: {  	s7 =	smul.u32 @!p0 $0xF7A, s2;
	p2 =	seq.s32 @!p0 s5, $0x0  }
0x1f: {  	s9 =	smul.u32 $0xF7A, s1;
	s8 =	simm.s32 @!p0 $0x1BF5;
	p2 =	por !p2, p0  }
0x20: {  	[sflag:s8] =	ssyncset.s32 @!p0 $0xFFFFF086;
	s6 =	sadd.s32 @!p0 s3, s7;
	s7 =	simm.s32 @!p0 $0x108  }
0x21: {  	s3 =	sadd.s32 s3, s9;
	s6 =	sadd.s32 @!p0 $0x88, s6;
	s7 =	simm.s32 @p2 $0x1082  }
0x22: {  	[simem:s7], [sflag:s8] =	dma.local @!p0 [hbm:s6], $0xF7A  }
0x23: {  	s9 =	sor.u32 $0xD0000000, s2;
	s6 =	simm.s32 $0x108;
	_ =	swait.ge @!p0 [sflag:s8], $0x0  }
0x24: {  	s3 =	sadd.s32 $0x88, s3;
	s6 =	simm.s32 @!p1 $0x1082;
	[sflag:s4] =	ssyncset.s32 $0xFFFFF086  }
0x25: {  	[simem:s6], [sflag:s4] =	dma.local [hbm:s3], $0xF7A  }
0x26: {  	[smem:$0x3F9F] =	sst s1;
	(tag) =	ssettag s2;
	_ =	strace s9  }
0x27: {  	s1 =	sld [smem:$0x3FAF]  }
0x28: {  	s2 =	sld [smem:$0x3FB0]  }
0x29: {  	s4 =	sld [smem:$0x3FB2]  }
0x2a: {  	p0 =	seq.s32 s5, $0x0;
	s5 =	sld [smem:$0x3FB3]  }
0x2b: {  	s6 =	sld [smem:$0x3FB4]  }
0x2c: {  	s7 =	sld [smem:$0x3FB5]  }
0x2d: {  	s3 =	simm.s32 $0x108;
	s8 =	sld [smem:$0x3FB6]  }
0x2e: {  	s3 =	simm.s32 @!p0 $0x1082;
	s9 =	sld [smem:$0x3FB7]  }
0x2f: {  	lr =	sadd.s32 s0, s3;
	s0 =	sld [smem:$0x3FAE]  }
0x30: {  	s3 =	sld [smem:$0x3FB1]  }
0x31: {  	[smem:$0x3FBA] =	sst s10  }
0x32: {  	s10 =	sld [smem:$0x3FB8];
	_ =	sdelay $0x3  }
0x33: {  	p0 =	seq.s32 s10, $0x1;
	s10 =	sld [smem:$0x3FBA];
	_ =	sdelay $0x3  }
0x34: {  	[smem:$0x3FBA] =	sst s10  }
0x35: {  	s10 =	sld [smem:$0x3FB9];
	_ =	sdelay $0x3  }
0x36: {  	p1 =	seq.s32 s10, $0x1;
	s10 =	sld [smem:$0x3FBA];
	_ =	sdelay $0x3  }
0x37: {  	[smem:$0x3FBA] =	sst s10  }
0x38: {  	s10 =	sld [smem:$0x3FBB]  }
0x39: {  	_ = 	snop;
	(pc) =	sbr.ind lr, $3  }
0x3a: {  	_ = 	snop  }
0x3b: {  	_ = 	snop  }
0x3c: {  	p2 =	seq.s32 s10, $0x1;
	s10 =	sld [smem:$0x3FBA]  }
0x3d: {  	_ =	shalt  }
0x3e: {  	_ =	shalt  }
0x3f: {  	_ =	shalt  }
0x40: {  	_ =	shalt  }
0x41: {  	_ =	shalt  }
0x42: {  	_ =	shalt  }
0x43: {  	_ =	shalt  }
0x44: {  	_ =	shalt  }
0x45: {  	_ =	shalt  }
0x46: {  	_ =	shalt  }
0x47: {  	_ =	shalt  }
0x48: {  	_ =	shalt  }
0x49: {  	_ =	shalt  }
0x4a: {  	_ =	shalt  }
0x4b: {  	_ =	shalt  }
0x4c: {  	_ =	shalt  }
0x4d: {  	_ =	shalt  }
0x4e: {  	_ =	shalt  }
0x4f: {  	_ =	shalt  }
0x50: {  	_ =	shalt  }
0x51: {  	_ =	shalt  }
0x52: {  	_ =	shalt  }
0x53: {  	_ =	shalt  }
0x54: {  	_ =	shalt  }
0x55: {  	_ =	shalt  }
0x56: {  	_ =	shalt  }
0x57: {  	_ =	shalt  }
0x58: {  	_ =	shalt  }
0x59: {  	_ =	shalt  }
0x5a: {  	_ =	shalt  }
0x5b: {  	_ =	shalt  }
0x5c: {  	_ =	shalt  }
0x5d: {  	_ =	shalt  }
0x5e: {  	_ =	shalt  }
0x5f: {  	_ =	shalt  }
0x60: {  	_ =	shalt  }
0x61: {  	_ =	shalt  }
0x62: {  	_ =	shalt  }
0x63: {  	_ =	shalt  }
0x64: {  	_ =	shalt  }
0x65: {  	_ =	shalt  }
0x66: {  	_ =	shalt  }
0x67: {  	_ =	shalt  }
0x68: {  	_ =	shalt  }
0x69: {  	_ =	shalt  }
0x6a: {  	_ =	shalt  }
0x6b: {  	_ =	shalt  }
0x6c: {  	_ =	shalt  }
0x6d: {  	_ =	shalt  }
0x6e: {  	_ =	shalt  }
0x6f: {  	_ =	shalt  }
0x70: {  	_ =	shalt  }
0x71: {  	_ =	shalt  }
0x72: {  	_ =	shalt  }
0x73: {  	_ =	shalt  }
0x74: {  	_ =	shalt  }
0x75: {  	_ =	shalt  }
0x76: {  	_ =	shalt  }
0x77: {  	_ =	shalt  }
0x78: {  	_ =	shalt  }
0x79: {  	_ =	shalt  }
0x7a: {  	_ =	shalt  }
0x7b: {  	_ =	shalt  }
0x7c: {  	_ =	shalt  }
0x7d: {  	_ =	shalt  }
0x7e: {  	_ =	shalt  }
0x7f: {  	_ =	shalt  }
0x80: {  	_ =	shalt  }
0x81: {  	_ =	shalt  }
0x82: {  	_ =	shalt  }
0x83: {  	_ =	shalt  }
0x84: {  	_ =	shalt  }
0x85: {  	_ =	shalt  }
0x86: {  	_ =	shalt  }
0x87: {  	_ =	shalt  }
.Lfunc_end0:
.L_simem_size_0:
called_computation_lowered:
.L_overlay_start_0:
0x88: {  	s2 =	sld [smem:$0x3FD9]  }
0x89: {  	s3 =	sld [smem:$0x3FFE];
	_ =	sdelay $0x1  }
0x8a: {  	s1 =	srdreg.scid  }
0x8b: {  	s0 =	sand.u32 $0x1, s1  }
0x8c: {  	s17 =	sshll.u32 s0, $0xA;
	s2 =	sadd.s32 s3, s2  }
0x8d: {  	s2 =	sadd.s32 s2, s17  }
0x8e: {  	[smem:$0x3FC6] =	sst s2  }
0x8f: {  	_ = 	snop  }
0x90: {  	s2 =	sld [smem:$0x3FC9]  }
0x91: {  	s18 =	sld [smem:$0x3FD0];
	(tm) =	ssettm $0x1  }
0x92: {  	s4 =	sld [smem:$0x3FFB];
	_ =	sdelay $0x3  }
0x93: {  	_ =	strace s4  }
0x94: {  	s4 =	sld [smem:$0x3FFC];
	_ =	sdelay $0x3  }
0x95: {  	_ =	strace s4  }
0x96: {  	s4 =	sld [smem:$0x3FFD];
	_ =	sdelay $0x3  }
0x97: {  	_ =	strace s4  }
0x98: {  	_ =	strace $0x8FFFFFFF  }
0x99: {  	s19 =	sld [smem:$0x3FDB];
	_ =	sdelay $0x1  }
0x9a: {  	s5 =	simm.s32 $_scs_section_size  }
0x9b: {  	s6 =	simm.s32 $_size__tile_overlayer_lowered;
	s7 =	simm.s32 $_tile_overlayer_lowered  }
0x9c: {  	s22 =	simm.s32 $0x1BFF;
	s21 =	sshll.u32 s7, $0x1;
	s4 =	sadd.s32 s5, s19  }
0x9d: {  	s8 =	simm.s32 $0x0;
	s20 =	sshll.u32 s6, $0x1;
	s6 =	sadd.s32 s21, s4  }
0x9e: {  	[timem:s8], [sflag:s22] =	dma.local [hbm:s6], s20  }
0x9f: {  	_ =	swait.ge [sflag:s22], s20  }
0xa0: {  	s5 =	ssub.s32 $0x0, s20;
	[sflag:s22] =	ssyncset.done $0x0  }
0xa1: {  	[sflag:s22] =	ssyncadd.s32 s5;
	_ =	sdelay $0x1  }
0xa2: {  	s23 =	simm.s32 $0x1B8B  }
0xa3: {  	_ =	swait.ge [sflag:s23], $0x1  }
0xa4: {  	[sflag:s23] =	ssyncset.done $0x0  }
0xa5: {  	s25 =	simm.s32 $0x1B8E;
	s24 =	sld [smem:$0x3FFE];
	[sflag:s23] =	ssyncadd.s32 $0xFFFFFFFF  }
0xa6: {  	s26 =	simm.s32 $execute0_lowered;
	[smem:$0x3FD2] =	sst s25  }
0xa7: {  	s6 =	sshll.u32 s26, $0x1;
	_ =	strace $0x80000046;
	[dreg:$0x1] =	wrdreg $0xFFFFFFFF  }
0xa8: {  	s28 =	simm.s32 $_size_execute0_lowered;
	s4 =	sadd.s32 s4, s6;
	[dreg:$0x0] =	wrdreg $0x0  }
0xa9: {  	s6 =	sshll.u32 s28, $0x1;
	[dreg:$0x2] =	wrdreg s4  }
0xaa: {  	[dreg:$0x3] =	wrdreg s6  }
0xab: {  	[dreg:$0x4] =	wrdreg $0xC0  }
0xac: {  	_ =	task [dreg:s8], $0x5FFFF  }
0xad: {  	[dreg:$0x1] =	wrdreg $0xFFFFFFFF  }
0xae: {  	[dreg:$0x0] =	wrdreg $0x60  }
0xaf: {  	[dreg:$0x2] =	wrdreg s2  }
0xb0: {  	[dreg:$0x3] =	wrdreg s24  }
0xb1: {  	[dreg:$0x4] =	wrdreg s18  }
0xb2: {  	[dreg:$0x5] =	wrdreg $0x9  }
0xb3: {  	_ =	task.clear_ibuf [dreg:s8], $0x6FFFF;
	_ =	strace $0x90000046  }
0xb4: {  	s29 =	simm.s32 $0x9;
	_ =	strace $0x80000048  }
0xb5: {  	_ =	swait.ge [sflag:s29], $0x1  }
0xb6: {  	[sflag:s29] =	ssyncadd.s32 $0xFFFFFFFF  }
0xb7: {  	_ =	strace $0x90000048  }
0xb8: {  	_ =	sfence  }
0xb9: {  	s30 =	sld [smem:$0x0];
	_ =	sdelay $0x2  }
0xba: {  	s31 =	sshll.u32 s1, $0xD;
	s1 =	sshrl.u32 s1, $0x2  }
0xbb: {  	s3 =	sand.u32 $0x4000, s31;
	s1 =	sadd.s32 s1, s30  }
0xbc: {  	s0 =	sor.u32 s3, s0;
	s1 =	sshll.u32 s1, $0x11  }
0xbd: {  	s0 =	sor.u32 s1, s0  }
0xbe: {  	s0 =	sadd.s32 $0x8F2B, s0  }
0xbf: {  	[sflag:s0] =	ssyncadd.remote.s32 $0x1  }
0xc0: {  	_ =	sfence.sel $0xFFFF  }
0xc1: {  	[dreg:$0x0] =	wrdreg $0xFFFFFFFF;
	(pc) =	sbr.abs _section_cstart, $3  }
0xc2: {  	[dreg:$0x1] =	wrdreg $0xFFFFFFFF  }
0xc3: {  	_ =	task.clear_ibuf [dreg:s8], $0x2FFFF;
	_ =	strace $0x9FFFFFFF  }
0xc4: {  	(tm) =	ssettm $0x7FFFFFFF  }
0xc5: {  	_ =	shalt  }
tec
execute0_lowered:
.L_overlay_start_1:
0x0: {  	(tag) =	ssettag $0x1  }
0x1: {  	s0 =	rddreg [dreg:$0x0]  }
0x2: {  	s2 =	rddreg [dreg:$0x1]  }
0x3: {  	s1 =	rddreg [dreg:$0x2];
	s4 =	simm.s32 $0x0;
	s3 =	srdreg.scid  }
0x4: {  	s28 =	stileid.u32;
	s9 =	simm.s32 $0x12400;
	s10 =	simm.s32 $0x3  }
0x5: {  	s11 =	simm.s32 $0x400;
	s12 =	simm.s32 $0x8000;
	s13 =	simm.s32 $0x80  }
0x6: {  	s14 =	simm.s32 $0x6400;
	s15 =	simm.s32 $0xA400;
	s16 =	simm.s32 $0x1  }
0x7: {  	s17 =	simm.s32 $0xE400;
	[smem:$0x7FF] =	sst s4;
	s3 =	sand.u32 $0x1, s3  }
0x8: {  	v0 =	vlaneseq.u32;
	s4 =	sshll.u32 s28, $0xB;
	s6 =	ssub.s32 $0x2, s3;
	s3 =	sshll.u32 s3, $0xA  }
0x9: {  	s5 =	sadd.s32 $0xF42C00, s2;
	s2 =	sadd.s32 $0x200, s2;
	v0 =	vmul.u32 $0x80, v0;
	s4 =	sor.u32 s3, s4  }
0xa: {  	_ =	strace $0x80000047;
	s7 =	sshrl.u32 s6, $0x1;
	s30 =	sshrl.u32 s4, $0x3  }
0xb: {  	[dreg:$0x4] =	wrdreg s2;
	v1 =	vor.u32 $0x800, v0;
	s29 =	ssub.s32 s6, s7;
	s0 =	sadd.s32 s0, s30  }
0xc: {  	s18 =	simm.s32 $0x10400;
	v2 =	vor.u32 $0x1000, v0;
	v3 =	vor.u32 $0x1800, v0;
	v4 =	vor.u32 $0x2000, v0;
	s31 =	smax.u32 s29, $0x1;
	[dreg:$0x5] =	wrdreg s0  }
0xd: {  	s19 =	simm.s32 $0x2;
	s20 =	simm.s32 $0x0;
	v5 =	vor.u32 $0x2800, v0;
	v6 =	vor.u32 $0x3000, v0;
	v7 =	vor.u32 $0x3800, v0;
	[dreg:$0x6] =	wrdreg s31  }
.LBB2_1:
0xe: {  	s0 =	simm.s32 $0x0;
	s2 =	rddreg [dreg:$0x4]  }
0xf: {  	[tilespmem:s9], [sflag:$0x3] =	stream.linear.gather [hbm4b:s2+s0], $0x3200, $0x38;
	[tilespmem:$0x15600] =	vst v63  }
0x10: {  	_ =	swait.ge [sflag:s10], $0x3200  }
0x11: {  	[sflag:s10] =	ssyncset.done $0x0  }
0x12: {  	s31 =	rddreg [dreg:$0x5];
	[sflag:s10] =	ssyncadd.s32 $0xFFFFCE00  }
0x13: {  	[tilespmem:s0], [sflag:$0x3] =	stream.strided.gather [hbm4b:s31+s11], $0x6400, s12, s11, $0x38;
	[tilespmem:$0x15600] =	vst v63  }
0x14: {  	_ =	swait.ge [sflag:s10], $0x6400  }
0x15: {  	[sflag:s10] =	ssyncset.done $0x0  }
0x16: {  	s21 =	simm.s32 $0x0;
	[sflag:s10] =	ssyncadd.s32 $0xFFFF9C00  }
0x17: {  	[tilespmem:s14], [sflag:$0x1] =	stream.indirect.gather [hbm4b:s5+s13], $0x80, s0, s13, $0xb8;
	[tilespmem:$0x15600] =	vst v63  }
.LBB2_2:
0x18: {  	s0 =	sshll.u32 s21, $0x8  }
0x19: {  	s22 =	sand.u32 $0x3FFFFF00, s0  }
0x1a: {  	s26 =	sshll.u32 s21, $0x7;
	s0 =	sor.u32 $0x80, s22  }
0x1b: {  	[tilespmem:s15], [sflag:$0x1] =	stream.indirect.gather [hbm4b:s5+s13], $0x80, s0, s13, $0xb8;
	[tilespmem:$0x15600] =	vst v63  }
0x1c: {  	s2 =	simm.s32 $0x0;
	v18 =	vmov s26;
	_ =	swait.ge [sflag:s16], $0x4000  }
0x1d: {  	p0 =	seq.s32 s21, $0x0;
	s6 =	simm.s32 $0x1;
	v8 =	vor.u32 s2, v18;
	[sflag:s16] =	ssyncset.done $0x0  }
0x1e: {  	s8 =	simm.s32 $0x3;
	v9 =	vor.u32 s6, v18;
	s0 =	simm.s32 @!p0 $0x2;
	[sflag:s16] =	ssyncadd.s32 $0xFFFFC000  }
0x1f: {  	v11 =	vor.u32 s8, v18;
	_ =	swait.ge @!p0 [sflag:s0], $0x2000  }
0x20: {  	v12 =	vor.u32 s8, v0;
	[sflag:s0] =	ssyncset.done @!p0 $0x0  }
0x21: {  	[sflag:s0] =	ssyncadd.s32 @!p0 $0xFFFFE000  }
0x22: {  	v13 =	vld.idx.msk [tilespmem:v8+s9+$0x0], $0xffff  }
0x23: {  	s7 =	simm.s32 $0x2;
	v10 =	vor.u32 s6, v0;
	v15 =	vld.idx.msk [tilespmem:v9+s9+$0x0], $0xffff  }
0x24: {  	v8 =	vor.u32 s7, v18;
	v17 =	vld.idx.msk [tilespmem:v11+s9+$0x0], $0xffff  }
0x25: {  	v9 =	vor.u32 s7, v0;
	v11 =	vld.idx.msk [tilespmem:v12+s14+$0x0], $0xffff  }
0x26: {  	v14 =	vor.u32 s2, v0;
	_ =	sdelay $0x1  }
0x27: {  	v10 =	vld.idx.msk [tilespmem:v10+s14+$0x0], $0xffff;
	v12 =	vor.u32 s8, v1  }
0x28: {  	v16 =	vld.idx.msk [tilespmem:v8+s9+$0x0], $0xffff  }
0x29: {  	v8 =	vld.idx.msk [tilespmem:v9+s14+$0x0], $0xffff;
	v11 =	vadd.f32 v11, v17  }
0x2a: {  	s31 =	simm.s32 $0xE500;
	v9 =	vld.idx.msk [tilespmem:v14+s14+$0x0], $0xffff;
	v14 =	vor.u32 s6, v1  }
0x2b: {  	[tilespmem:s31+$0x80] =	vst v11  }
0x2c: {  	v19 =	vor.u32 s7, v1;
	v10 =	vadd.f32 v10, v15;
	v11 =	vld.idx.msk [tilespmem:v12+s14+$0x0], $0xffff  }
0x2d: {  	v20 =	vor.u32 s2, v1  }
0x2e: {  	[tilespmem:s31+$0xFFFFFF80] =	vst v10;
	v8 =	vadd.f32 v8, v16  }
0x2f: {  	v9 =	vadd.f32 v9, v13;
	v10 =	vld.idx.msk [tilespmem:v14+s14+$0x0], $0xffff  }
0x30: {  	v12 =	vor.u32 s8, v2;
	[tilespmem:s31+$0x0] =	vst v8  }
0x31: {  	[tilespmem:s31+$0xFFFFFF00] =	vst v9;
	v8 =	vld.idx.msk [tilespmem:v19+s14+$0x0], $0xffff;
	v11 =	vadd.f32 v11, v17  }
0x32: {  	s23 =	simm.s32 $0x4;
	v14 =	vor.u32 s6, v2;
	v9 =	vld.idx.msk [tilespmem:v20+s14+$0x0], $0xffff  }
0x33: {  	[tilespmem:s31+$0x90] =	vst v11;
	v11 =	vor.u32 s23, v0  }
0x34: {  	v19 =	vor.u32 s7, v2;
	v10 =	vadd.f32 v10, v15  }
0x35: {  	v20 =	vor.u32 s2, v2;
	v12 =	vld.idx.msk [tilespmem:v12+s14+$0x0], $0xffff  }
0x36: {  	s24 =	simm.s32 $0x5;
	v21 =	vor.u32 s23, v18;
	[tilespmem:s31+$0xFFFFFF90] =	vst v10;
	v8 =	vadd.f32 v8, v16  }
0x37: {  	v10 =	vor.u32 s24, v18;
	v9 =	vadd.f32 v9, v13;
	v14 =	vld.idx.msk [tilespmem:v14+s14+$0x0], $0xffff  }
0x38: {  	v23 =	vor.u32 s8, v3;
	[tilespmem:s31+$0x10] =	vst v8;
	v24 =	vld.idx.msk [tilespmem:v11+s14+$0x0], $0xffff  }
0x39: {  	[tilespmem:s31+$0xFFFFFF10] =	vst v9;
	v19 =	vld.idx.msk [tilespmem:v19+s14+$0x0], $0xffff  }
0x3a: {  	v22 =	vor.u32 s24, v0;
	v20 =	vld.idx.msk [tilespmem:v20+s14+$0x0], $0xffff;
	v11 =	vadd.f32 v12, v17  }
0x3b: {  	v8 =	vld.idx.msk [tilespmem:v21+s9+$0x0], $0xffff;
	v21 =	vor.u32 s6, v3  }
0x3c: {  	v12 =	vor.u32 s7, v3;
	v9 =	vld.idx.msk [tilespmem:v10+s9+$0x0], $0xffff;
	[tilespmem:s31+$0xA0] =	vst v11  }
0x3d: {  	s25 =	simm.s32 $0x6;
	v10 =	vor.u32 s2, v3;
	v14 =	vadd.f32 v14, v15;
	v23 =	vld.idx.msk [tilespmem:v23+s14+$0x0], $0xffff  }
0x3e: {  	v25 =	vor.u32 s25, v18;
	v11 =	vadd.f32 v19, v16  }
0x3f: {  	v22 =	vld.idx.msk [tilespmem:v22+s14+$0x0], $0xffff;
	[tilespmem:s31+$0xFFFFFFA0] =	vst v14;
	v19 =	vor.u32 s25, v0;
	v20 =	vadd.f32 v20, v13  }
0x40: {  	s29 =	simm.s32 $0x7;
	v26 =	vor.u32 s8, v4;
	v14 =	vld.idx.msk [tilespmem:v21+s14+$0x0], $0xffff;
	[tilespmem:s31+$0x20] =	vst v11  }
0x41: {  	v11 =	vor.u32 s29, v18;
	[tilespmem:s31+$0xFFFFFF20] =	vst v20;
	v12 =	vld.idx.msk [tilespmem:v12+s14+$0x0], $0xffff  }
0x42: {  	v20 =	vor.u32 s29, v0;
	v21 =	vld.idx.msk [tilespmem:v10+s14+$0x0], $0xffff;
	v23 =	vadd.f32 v23, v17  }
0x43: {  	s26 =	simm.s32 $0x8;
	v10 =	vld.idx.msk [tilespmem:v25+s9+$0x0], $0xffff;
	v25 =	vor.u32 s6, v4  }
0x44: {  	v19 =	vld.idx.msk [tilespmem:v19+s14+$0x0], $0xffff;
	[tilespmem:s31+$0xB0] =	vst v23;
	v23 =	vor.u32 s26, v18  }
0x45: {  	v29 =	vor.u32 s26, v0;
	v14 =	vadd.f32 v14, v15;
	v26 =	vld.idx.msk [tilespmem:v26+s14+$0x0], $0xffff  }
0x46: {  	v27 =	vor.u32 s7, v4;
	v11 =	vld.idx.msk [tilespmem:v11+s9+$0x0], $0xffff  }
0x47: {  	s30 =	simm.s32 $0x9;
	v28 =	vor.u32 s2, v4;
	v20 =	vld.idx.msk [tilespmem:v20+s14+$0x0], $0xffff;
	[tilespmem:s31+$0xFFFFFFB0] =	vst v14;
	v12 =	vadd.f32 v12, v16  }
0x48: {  	v14 =	vor.u32 s30, v18;
	v21 =	vadd.f32 v21, v13;
	v25 =	vld.idx.msk [tilespmem:v25+s14+$0x0], $0xffff  }
0x49: {  	v30 =	vor.u32 s30, v0;
	[tilespmem:s31+$0x30] =	vst v12;
	v12 =	vld.idx.msk [tilespmem:v23+s9+$0x0], $0xffff  }
0x4a: {  	v33 =	vor.u32 s25, v1;
	v24 =	vadd.f32 v24, v8;
	[tilespmem:s31+$0xFFFFFF30] =	vst v21;
	v21 =	vld.idx.msk [tilespmem:v29+s14+$0x0], $0xffff  }
0x4b: {  	s28 =	simm.s32 $0xE700;
	v31 =	vor.u32 s29, v1;
	v22 =	vadd.f32 v22, v9;
	v27 =	vld.idx.msk [tilespmem:v27+s14+$0x0], $0xffff  }
0x4c: {  	[tilespmem:s28+$0xFFFFFF00] =	vst v24;
	v23 =	vor.u32 s8, v5;
	v19 =	vadd.f32 v19, v10;
	v28 =	vld.idx.msk [tilespmem:v28+s14+$0x0], $0xffff  }
0x4d: {  	[tilespmem:s28+$0xFFFFFF80] =	vst v22;
	v29 =	vor.u32 s24, v1;
	v32 =	vadd.f32 v20, v11;
	v14 =	vld.idx.msk [tilespmem:v14+s9+$0x0], $0xffff  }
0x4e: {  	v56 =	vor.u32 s6, v5;
	v26 =	vadd.f32 v26, v17;
	v20 =	vld.idx.msk [tilespmem:v30+s14+$0x0], $0xffff;
	[tilespmem:s28+$0x0] =	vst v19  }
0x4f: {  	v30 =	vor.u32 s23, v1;
	v24 =	vld.idx.msk [tilespmem:v33+s14+$0x0], $0xffff;
	[tilespmem:s28+$0x80] =	vst v32  }
0x50: {  	v22 =	vor.u32 s7, v5;
	[tilespmem:s31+$0xC0] =	vst v26;
	v25 =	vadd.f32 v25, v15;
	v31 =	vld.idx.msk [tilespmem:v31+s14+$0x0], $0xffff  }
0x51: {  	s0 =	simm.s32 $0xA;
	v19 =	vor.u32 s2, v5;
	v23 =	vld.idx.msk [tilespmem:v23+s14+$0x0], $0xffff  }
0x52: {  	v26 =	vld.idx.msk [tilespmem:v29+s14+$0x0], $0xffff;
	v29 =	vor.u32 s0, v18;
	[tilespmem:s31+$0xFFFFFFC0] =	vst v25;
	v27 =	vadd.f32 v27, v16  }
0x53: {  	v57 =	vor.u32 s29, v2;
	v28 =	vadd.f32 v28, v13;
	v25 =	vld.idx.msk [tilespmem:v56+s14+$0x0], $0xffff  }
0x54: {  	v30 =	vld.idx.msk [tilespmem:v30+s14+$0x0], $0xffff;
	[tilespmem:s31+$0x40] =	vst v27;
	v27 =	vor.u32 s8, v6;
	v24 =	vadd.f32 v24, v10  }
0x55: {  	v58 =	vor.u32 s24, v2;
	[tilespmem:s31+$0xFFFFFF40] =	vst v28;
	v22 =	vld.idx.msk [tilespmem:v22+s14+$0x0], $0xffff;
	v31 =	vadd.f32 v31, v11  }
0x56: {  	v28 =	vor.u32 s25, v2;
	v34 =	vld.idx.msk [tilespmem:v19+s14+$0x0], $0xffff;
	v23 =	vadd.f32 v23, v17;
	[tilespmem:s28+$0x10] =	vst v24  }
0x57: {  	v19 =	vld.idx.msk [tilespmem:v29+s9+$0x0], $0xffff;
	v29 =	vor.u32 s23, v2;
	v26 =	vadd.f32 v26, v9;
	[tilespmem:s28+$0x90] =	vst v31  }
0x58: {  	v59 =	vor.u32 s6, v6;
	[tilespmem:s31+$0xD0] =	vst v23;
	v31 =	vld.idx.msk [tilespmem:v57+s14+$0x0], $0xffff  }
0x59: {  	v24 =	vor.u32 s2, v6;
	v23 =	vadd.f32 v30, v8;
	[tilespmem:s28+$0xFFFFFF90] =	vst v26;
	v27 =	vld.idx.msk [tilespmem:v27+s14+$0x0], $0xffff  }
0x5a: {  	v25 =	vadd.f32 v25, v15;
	v26 =	vor.u32 s7, v6;
	v30 =	vld.idx.msk [tilespmem:v58+s14+$0x0], $0xffff  }
0x5b: {  	v60 =	vor.u32 s0, v0;
	[tilespmem:s28+$0xFFFFFF10] =	vst v23;
	v23 =	vld.idx.msk [tilespmem:v28+s14+$0x0], $0xffff;
	v34 =	vadd.f32 v34, v13  }
0x5c: {  	[tilespmem:s31+$0xFFFFFFD0] =	vst v25;
	v25 =	vor.u32 s8, v7;
	v22 =	vadd.f32 v22, v16;
	v28 =	vld.idx.msk [tilespmem:v29+s14+$0x0], $0xffff  }
0x5d: {  	v33 =	vld.idx.msk [tilespmem:v59+s14+$0x0], $0xffff;
	v29 =	vor.u32 s29, v3;
	[tilespmem:s31+$0xFFFFFF50] =	vst v34  }
0x5e: {  	v35 =	vor.u32 s24, v3;
	[tilespmem:s31+$0x50] =	vst v22;
	v37 =	vld.idx.msk [tilespmem:v24+s14+$0x0], $0xffff;
	v24 =	vadd.f32 v27, v17  }
0x5f: {  	v36 =	vor.u32 s25, v3;
	v61 =	vld.idx.msk [tilespmem:v26+s14+$0x0], $0xffff;
	v31 =	vadd.f32 v31, v11  }
0x60: {  	v62 =	vor.u32 s23, v3;
	v22 =	vld.idx.msk [tilespmem:v60+s14+$0x0], $0xffff;
	v27 =	vadd.f32 v30, v9;
	[tilespmem:s31+$0xE0] =	vst v24  }
0x61: {  	v30 =	vadd.f32 v23, v10;
	[tilespmem:s28+$0xA0] =	vst v31;
	v24 =	vadd.f32 v28, v8;
	v28 =	vld.idx.msk [tilespmem:v25+s14+$0x0], $0xffff;
	v25 =	vor.u32 s6, v7  }
0x62: {  	v23 =	vor.u32 s7, v7;
	[tilespmem:s28+$0xFFFFFFA0] =	vst v27;
	v26 =	vld.idx.msk [tilespmem:v29+s14+$0x0], $0xffff  }
0x63: {  	v63 =	vadd.f32 v33, v15;
	v27 =	vor.u32 s2, v7;
	s6 =	simm.s32 $0xB;
	v29 =	vld.idx.msk [tilespmem:v35+s14+$0x0], $0xffff;
	[tilespmem:s28+$0x20] =	vst v30  }
0x64: {  	v33 =	vor.u32 s6, v18;
	[tilespmem:s28+$0xFFFFFF20] =	vst v24;
	v30 =	vld.idx.msk [tilespmem:v36+s14+$0x0], $0xffff;
	v31 =	vadd.f32 v61, v16  }
0x65: {  	s7 =	simm.s32 $0xC;
	s2 =	sshll.u32 s21, $0x1;
	[tilespmem:s31+$0xFFFFFFE0] =	vst v63;
	v34 =	vor.u32 s6, v0;
	v32 =	vadd.f32 v37, v13;
	v24 =	vld.idx.msk [tilespmem:v62+s14+$0x0], $0xffff  }
.LBB2_3:
0x66: {  	p1 =	slt.u32 s7, $0x3C;
	v35 =	vor.u32 s29, v4;
	v25 =	vld.idx.msk [tilespmem:v25+s14+$0x0], $0xffff;
	[tilespmem:s31+$0x60] =	vst v31  }
0x67: {  	v31 =	vor.u32 s24, v4;
	v26 =	vadd.f32 v26, v11;
	[tilespmem:s31+$0xFFFFFF60] =	vst v32;
	v23 =	vld.idx.msk [tilespmem:v23+s14+$0x0], $0xffff  }
0x68: {  	v32 =	vor.u32 s25, v4;
	v28 =	vadd.f32 v28, v17;
	v17 =	vmov v11;
	v27 =	vld.idx.msk [tilespmem:v27+s14+$0x0], $0xffff  }
0x69: {  	v29 =	vadd.f32 v29, v9;
	v11 =	vld.idx.msk [tilespmem:v33+s9+$0x0], $0xffff;
	v33 =	vor.u32 s23, v4;
	[tilespmem:s28+$0xB0] =	vst v26  }
0x6a: {  	v26 =	vor.u32 s7, v18;
	v30 =	vadd.f32 v30, v10;
	v34 =	vld.idx.msk [tilespmem:v34+s14+$0x0], $0xffff;
	[tilespmem:s31+$0xF0] =	vst v28  }
0x6b: {  	s8 =	sadd.s32 $0x1, s7;
	v28 =	vor.u32 s7, v0;
	v24 =	vadd.f32 v24, v8;
	[tilespmem:s28+$0xFFFFFFB0] =	vst v29;
	v29 =	vld.idx.msk [tilespmem:v35+s14+$0x0], $0xffff  }
0x6c: {  	v35 =	vor.u32 s8, v18;
	v25 =	vadd.f32 v25, v15;
	v15 =	vmovc v9;
	v9 =	vmov v14;
	v31 =	vld.idx.msk [tilespmem:v31+s14+$0x0], $0xffff;
	[tilespmem:s28+$0x30] =	vst v30  }
0x6d: {  	v30 =	vor.u32 s8, v0;
	v14 =	vadd.f32 v23, v16;
	v16 =	vmovc v10;
	v10 =	vmov v19;
	[tilespmem:s28+$0xFFFFFF30] =	vst v24;
	v24 =	vld.idx.msk [tilespmem:v32+s14+$0x0], $0xffff  }
0x6e: {  	v19 =	vor.u32 s6, v1;
	v27 =	vadd.f32 v27, v13;
	v13 =	vmovc v8;
	v8 =	vmov v12;
	v23 =	vld.idx.msk [tilespmem:v33+s14+$0x0], $0xffff;
	[tilespmem:s31+$0xFFFFFFF0] =	vst v25  }
0x6f: {  	v25 =	vor.u32 s29, v5;
	v12 =	vld.idx.msk [tilespmem:v26+s9+$0x0], $0xffff;
	[tilespmem:s31+$0x70] =	vst v14  }
0x70: {  	v32 =	vadd.f32 v34, v11;
	v26 =	vld.idx.msk [tilespmem:v28+s14+$0x0], $0xffff;
	v28 =	vor.u32 s30, v1;
	[tilespmem:s31+$0xFFFFFF70] =	vst v27;
	s31 =	smov.u32 s28  }
0x71: {  	v27 =	vor.u32 s0, v1;
	v29 =	vadd.f32 v29, v17;
	s28 =	sadd.s32 $0x200, s28;
	v14 =	vld.idx.msk [tilespmem:v35+s9+$0x0], $0xffff  }
0x72: {  	v33 =	vor.u32 s26, v1;
	v34 =	vadd.f32 v20, v9;
	v20 =	vld.idx.msk [tilespmem:v30+s14+$0x0], $0xffff;
	[tilespmem:s28+$0x80] =	vst v32;
	v30 =	vadd.f32 v31, v15  }
0x73: {  	v22 =	vadd.f32 v22, v10;
	v31 =	vor.u32 s24, v5;
	v24 =	vadd.f32 v24, v16;
	v19 =	vld.idx.msk [tilespmem:v19+s14+$0x0], $0xffff;
	[tilespmem:s31+$0xC0] =	vst v29  }
0x74: {  	v35 =	vadd.f32 v21, v8;
	v23 =	vadd.f32 v23, v13;
	v29 =	vor.u32 s25, v5;
	[tilespmem:s28+$0xFFFFFF80] =	vst v34;
	v25 =	vld.idx.msk [tilespmem:v25+s14+$0x0], $0xffff  }
0x75: {  	s3 =	sadd.s32 $0x2, s7;
	v28 =	vld.idx.msk [tilespmem:v28+s14+$0x0], $0xffff;
	[tilespmem:s28+$0x0] =	vst v22;
	v22 =	vor.u32 s23, v5  }
0x76: {  	v32 =	vor.u32 s3, v18;
	v21 =	vmov v26;
	[tilespmem:s28+$0xFFFFFF00] =	vst v35;
	v27 =	vld.idx.msk [tilespmem:v27+s14+$0x0], $0xffff  }
0x77: {  	v26 =	vld.idx.msk [tilespmem:v33+s14+$0x0], $0xffff;
	v33 =	vor.u32 s6, v2;
	[tilespmem:s31+$0xFFFFFFC0] =	vst v30  }
0x78: {  	v30 =	vld.idx.msk [tilespmem:v31+s14+$0x0], $0xffff;
	[tilespmem:s31+$0x40] =	vst v24;
	v24 =	vor.u32 s29, v6  }
0x79: {  	v31 =	vor.u32 s30, v2;
	v34 =	vadd.f32 v19, v11;
	[tilespmem:s31+$0xFFFFFF40] =	vst v23;
	v23 =	vld.idx.msk [tilespmem:v29+s14+$0x0], $0xffff  }
0x7a: {  	v29 =	vor.u32 s0, v2;
	v25 =	vadd.f32 v25, v17;
	v22 =	vld.idx.msk [tilespmem:v22+s14+$0x0], $0xffff  }
0x7b: {  	v28 =	vadd.f32 v28, v9;
	v19 =	vld.idx.msk [tilespmem:v32+s9+$0x0], $0xffff;
	v32 =	vor.u32 s26, v2;
	[tilespmem:s28+$0x90] =	vst v34  }
0x7c: {  	v27 =	vadd.f32 v27, v10;
	v34 =	vor.u32 s24, v6;
	v33 =	vld.idx.msk [tilespmem:v33+s14+$0x0], $0xffff;
	[tilespmem:s31+$0xD0] =	vst v25  }
0x7d: {  	v25 =	vadd.f32 v26, v8;
	v26 =	vor.u32 s25, v6;
	[tilespmem:s28+$0xFFFFFF90] =	vst v28;
	v24 =	vld.idx.msk [tilespmem:v24+s14+$0x0], $0xffff  }
0x7e: {  	v30 =	vadd.f32 v30, v15;
	v28 =	vld.idx.msk [tilespmem:v31+s14+$0x0], $0xffff;
	[tilespmem:s28+$0x10] =	vst v27;
	v27 =	vor.u32 s23, v6  }
0x7f: {  	v31 =	vor.u32 s3, v0;
	v23 =	vadd.f32 v23, v16;
	[tilespmem:s28+$0xFFFFFF10] =	vst v25;
	v25 =	vld.idx.msk [tilespmem:v29+s14+$0x0], $0xffff  }
0x80: {  	v22 =	vadd.f32 v22, v13;
	v29 =	vld.idx.msk [tilespmem:v32+s14+$0x0], $0xffff;
	v32 =	vor.u32 s6, v3;
	[tilespmem:s31+$0xFFFFFFD0] =	vst v30  }
0x81: {  	v30 =	vld.idx.msk [tilespmem:v34+s14+$0x0], $0xffff;
	[tilespmem:s31+$0x50] =	vst v23;
	v34 =	vor.u32 s29, v7;
	s29 =	smov.u32 s6  }
0x82: {  	v35 =	vor.u32 s30, v3;
	v23 =	vadd.f32 v33, v11;
	[tilespmem:s31+$0xFFFFFF50] =	vst v22;
	v36 =	vld.idx.msk [tilespmem:v26+s14+$0x0], $0xffff  }
0x83: {  	v37 =	vor.u32 s0, v3;
	v24 =	vadd.f32 v24, v17;
	v38 =	vld.idx.msk [tilespmem:v27+s14+$0x0], $0xffff  }
0x84: {  	v39 =	vor.u32 s26, v3;
	v27 =	vadd.f32 v28, v9;
	v22 =	vld.idx.msk [tilespmem:v31+s14+$0x0], $0xffff;
	[tilespmem:s28+$0xA0] =	vst v23  }
.Ltmp0:
0x85: {  	v31 =	vadd.f32 v25, v10;
	v25 =	vor.u32 s24, v7;
	s24 =	smov.u32 s30;
	s30 =	smov.u32 s8;
	v26 =	vld.idx.msk [tilespmem:v32+s14+$0x0], $0xffff;
	[tilespmem:s31+$0xE0] =	vst v24;
	(pc) =	sbr.rel @p1 .LBB2_3-.Ltmp0, $4  }
0x86: {  	v23 =	vor.u32 s25, v7;
	s25 =	smov.u32 s0;
	s0 =	smov.u32 s3;
	v24 =	vadd.f32 v29, v8;
	[tilespmem:s28+$0xFFFFFFA0] =	vst v27;
	v28 =	vld.idx.msk [tilespmem:v34+s14+$0x0], $0xffff  }
0x87: {  	s6 =	sadd.s32 $0x3, s7;
	v27 =	vor.u32 s23, v7;
	s23 =	smov.u32 s26;
	s26 =	smov.u32 s7;
	v29 =	vld.idx.msk [tilespmem:v35+s14+$0x0], $0xffff;
	[tilespmem:s28+$0x20] =	vst v31;
	v35 =	vadd.f32 v30, v15  }
0x88: {  	v33 =	vor.u32 s6, v18;
	v31 =	vadd.f32 v36, v16;
	[tilespmem:s28+$0xFFFFFF20] =	vst v24;
	v30 =	vld.idx.msk [tilespmem:v37+s14+$0x0], $0xffff  }
0x89: {  	v34 =	vor.u32 s6, v0;
	s7 =	sadd.s32 $0x4, s7;
	v32 =	vadd.f32 v38, v13;
	v24 =	vld.idx.msk [tilespmem:v39+s14+$0x0], $0xffff;
	[tilespmem:s31+$0xFFFFFFE0] =	vst v35  }
0x8a: {  	_ =	sdelay $0x3  }
0x8b: {  	v18 =	vld.idx.msk [tilespmem:v33+s9+$0x0], $0xffff  }
0x8c: {  	v44 =	vld.idx.msk [tilespmem:v34+s14+$0x0], $0xffff;
	_ =	sdelay $0x2  }
0x8d: {  	v45 =	vor.u32 s6, v1  }
0x8e: {  	v35 =	vor.u32 s30, v1  }
0x8f: {  	v36 =	vor.u32 s0, v1;
	v33 =	vadd.f32 v44, v18  }
0x90: {  	s7 =	sadd.s32 $0x200, s28;
	v37 =	vor.u32 s26, v1;
	v20 =	vadd.f32 v20, v14  }
0x91: {  	v22 =	vadd.f32 v22, v19;
	[tilespmem:s7+$0x80] =	vst v33  }
0x92: {  	v21 =	vadd.f32 v21, v12;
	[tilespmem:s7+$0xFFFFFF80] =	vst v20;
	v20 =	vld.idx.msk [tilespmem:v45+s14+$0x0], $0xffff  }
0x93: {  	[tilespmem:s7+$0x0] =	vst v22;
	v46 =	vld.idx.msk [tilespmem:v35+s14+$0x0], $0xffff  }
0x94: {  	[tilespmem:s7+$0xFFFFFF00] =	vst v21;
	v21 =	vld.idx.msk [tilespmem:v36+s14+$0x0], $0xffff  }
0x95: {  	v47 =	vor.u32 s6, v2;
	v22 =	vld.idx.msk [tilespmem:v37+s14+$0x0], $0xffff  }
0x96: {  	v48 =	vor.u32 s30, v2  }
0x97: {  	[tilespmem:s31+$0x60] =	vst v31;
	v31 =	vor.u32 s0, v2;
	v20 =	vadd.f32 v20, v18  }
0x98: {  	v49 =	vor.u32 s26, v2;
	[tilespmem:s31+$0xFFFFFF60] =	vst v32;
	v33 =	vadd.f32 v46, v14  }
0x99: {  	[tilespmem:s7+$0x90] =	vst v20;
	v20 =	vadd.f32 v21, v19  }
0x9a: {  	v22 =	vadd.f32 v22, v12;
	[tilespmem:s7+$0xFFFFFF90] =	vst v33;
	v21 =	vld.idx.msk [tilespmem:v47+s14+$0x0], $0xffff  }
0x9b: {  	v26 =	vadd.f32 v26, v11;
	v33 =	vld.idx.msk [tilespmem:v48+s14+$0x0], $0xffff;
	[tilespmem:s7+$0x10] =	vst v20  }
0x9c: {  	v17 =	vadd.f32 v28, v17;
	[tilespmem:s7+$0xFFFFFF10] =	vst v22;
	v20 =	vld.idx.msk [tilespmem:v31+s14+$0x0], $0xffff  }
0x9d: {  	v28 =	vor.u32 s6, v3;
	[tilespmem:s28+$0xB0] =	vst v26;
	v22 =	vadd.f32 v29, v9;
	v26 =	vld.idx.msk [tilespmem:v49+s14+$0x0], $0xffff  }
0x9e: {  	[tilespmem:s31+$0xF0] =	vst v17;
	v17 =	vor.u32 s30, v3;
	v29 =	vadd.f32 v30, v10  }
0x9f: {  	v25 =	vld.idx.msk [tilespmem:v25+s14+$0x0], $0xffff;
	[tilespmem:s28+$0xFFFFFFB0] =	vst v22;
	v22 =	vor.u32 s0, v3;
	v21 =	vadd.f32 v21, v18  }
0xa0: {  	v23 =	vld.idx.msk [tilespmem:v23+s14+$0x0], $0xffff;
	[tilespmem:s28+$0x30] =	vst v29;
	v29 =	vor.u32 s26, v3;
	v30 =	vadd.f32 v33, v14  }
0xa1: {  	v27 =	vld.idx.msk [tilespmem:v27+s14+$0x0], $0xffff;
	v31 =	vor.u32 s29, v4;
	[tilespmem:s7+$0xA0] =	vst v21;
	v20 =	vadd.f32 v20, v19  }
0xa2: {  	v26 =	vadd.f32 v26, v12;
	[tilespmem:s7+$0xFFFFFFA0] =	vst v30;
	v21 =	vor.u32 s24, v4;
	v28 =	vld.idx.msk [tilespmem:v28+s14+$0x0], $0xffff  }
0xa3: {  	v24 =	vadd.f32 v24, v8;
	v30 =	vor.u32 s25, v4;
	v17 =	vld.idx.msk [tilespmem:v17+s14+$0x0], $0xffff;
	[tilespmem:s7+$0x20] =	vst v20  }
0xa4: {  	v15 =	vadd.f32 v25, v15;
	[tilespmem:s7+$0xFFFFFF20] =	vst v26;
	v20 =	vor.u32 s23, v4;
	v22 =	vld.idx.msk [tilespmem:v22+s14+$0x0], $0xffff  }
0xa5: {  	[tilespmem:s28+$0xFFFFFF30] =	vst v24;
	v16 =	vadd.f32 v23, v16;
	v24 =	vor.u32 s6, v4;
	v23 =	vld.idx.msk [tilespmem:v29+s14+$0x0], $0xffff  }
0xa6: {  	v13 =	vadd.f32 v27, v13;
	[tilespmem:s31+$0xFFFFFFF0] =	vst v15;
	v15 =	vor.u32 s30, v4;
	v25 =	vld.idx.msk [tilespmem:v31+s14+$0x0], $0xffff  }
0xa7: {  	[tilespmem:s31+$0x70] =	vst v16;
	v26 =	vor.u32 s0, v4;
	v21 =	vld.idx.msk [tilespmem:v21+s14+$0x0], $0xffff;
	v16 =	vadd.f32 v28, v18  }
0xa8: {  	[tilespmem:s31+$0xFFFFFF70] =	vst v13;
	v13 =	vor.u32 s26, v4;
	v27 =	vld.idx.msk [tilespmem:v30+s14+$0x0], $0xffff;
	v17 =	vadd.f32 v17, v14  }
0xa9: {  	v28 =	vor.u32 s29, v5;
	v20 =	vld.idx.msk [tilespmem:v20+s14+$0x0], $0xffff;
	[tilespmem:s7+$0xB0] =	vst v16;
	v16 =	vadd.f32 v22, v19  }
0xaa: {  	v23 =	vadd.f32 v23, v12;
	[tilespmem:s7+$0xFFFFFFB0] =	vst v17;
	v22 =	vor.u32 s24, v5;
	v17 =	vld.idx.msk [tilespmem:v24+s14+$0x0], $0xffff  }
0xab: {  	v15 =	vld.idx.msk [tilespmem:v15+s14+$0x0], $0xffff;
	v24 =	vadd.f32 v25, v11;
	v25 =	vor.u32 s25, v5;
	[tilespmem:s7+$0x30] =	vst v16  }
0xac: {  	[tilespmem:s7+$0xFFFFFF30] =	vst v23;
	v16 =	vadd.f32 v21, v9;
	v21 =	vor.u32 s23, v5;
	v23 =	vld.idx.msk [tilespmem:v26+s14+$0x0], $0xffff  }
0xad: {  	v13 =	vld.idx.msk [tilespmem:v13+s14+$0x0], $0xffff;
	v26 =	vadd.f32 v27, v10;
	[tilespmem:s28+$0xC0] =	vst v24;
	v24 =	vor.u32 s6, v5  }
0xae: {  	v20 =	vadd.f32 v20, v8;
	v27 =	vld.idx.msk [tilespmem:v28+s14+$0x0], $0xffff;
	[tilespmem:s28+$0xFFFFFFC0] =	vst v16;
	v16 =	vor.u32 s30, v5  }
0xaf: {  	v22 =	vld.idx.msk [tilespmem:v22+s14+$0x0], $0xffff;
	[tilespmem:s28+$0x40] =	vst v26;
	v26 =	vor.u32 s0, v5;
	v17 =	vadd.f32 v17, v18  }
0xb0: {  	v15 =	vadd.f32 v15, v14;
	[tilespmem:s28+$0xFFFFFF40] =	vst v20;
	v20 =	vld.idx.msk [tilespmem:v25+s14+$0x0], $0xffff;
	v25 =	vor.u32 s26, v5  }
0xb1: {  	v28 =	vor.u32 s29, v6;
	v21 =	vld.idx.msk [tilespmem:v21+s14+$0x0], $0xffff;
	v23 =	vadd.f32 v23, v19;
	[tilespmem:s7+$0xC0] =	vst v17  }
0xb2: {  	v13 =	vadd.f32 v13, v12;
	[tilespmem:s7+$0xFFFFFFC0] =	vst v15;
	v17 =	vor.u32 s24, v6;
	v24 =	vld.idx.msk [tilespmem:v24+s14+$0x0], $0xffff  }
0xb3: {  	v15 =	vadd.f32 v27, v11;
	v27 =	vor.u32 s25, v6;
	v16 =	vld.idx.msk [tilespmem:v16+s14+$0x0], $0xffff;
	[tilespmem:s7+$0x40] =	vst v23  }
0xb4: {  	[tilespmem:s7+$0xFFFFFF40] =	vst v13;
	v23 =	vor.u32 s23, v6;
	v22 =	vadd.f32 v22, v9;
	v13 =	vld.idx.msk [tilespmem:v26+s14+$0x0], $0xffff  }
0xb5: {  	[tilespmem:s28+$0xD0] =	vst v15;
	v15 =	vadd.f32 v20, v10;
	v20 =	vor.u32 s6, v6;
	v25 =	vld.idx.msk [tilespmem:v25+s14+$0x0], $0xffff  }
0xb6: {  	v26 =	vld.idx.msk [tilespmem:v28+s14+$0x0], $0xffff;
	v21 =	vadd.f32 v21, v8;
	[tilespmem:s28+$0xFFFFFFD0] =	vst v22;
	v22 =	vor.u32 s30, v6  }
0xb7: {  	v17 =	vld.idx.msk [tilespmem:v17+s14+$0x0], $0xffff;
	[tilespmem:s28+$0x50] =	vst v15;
	v15 =	vadd.f32 v24, v18;
	v24 =	vor.u32 s0, v6  }
0xb8: {  	[tilespmem:s28+$0xFFFFFF50] =	vst v21;
	v21 =	vld.idx.msk [tilespmem:v27+s14+$0x0], $0xffff;
	v27 =	vor.u32 s26, v6;
	v16 =	vadd.f32 v16, v14  }
0xb9: {  	v28 =	vor.u32 s29, v7;
	v23 =	vld.idx.msk [tilespmem:v23+s14+$0x0], $0xffff;
	[tilespmem:s7+$0xD0] =	vst v15;
	v13 =	vadd.f32 v13, v19  }
0xba: {  	v15 =	vor.u32 s24, v7;
	v25 =	vadd.f32 v25, v12;
	[tilespmem:s7+$0xFFFFFFD0] =	vst v16;
	v20 =	vld.idx.msk [tilespmem:v20+s14+$0x0], $0xffff  }
0xbb: {  	v16 =	vadd.f32 v26, v11;
	v26 =	vor.u32 s25, v7;
	v22 =	vld.idx.msk [tilespmem:v22+s14+$0x0], $0xffff;
	[tilespmem:s7+$0x50] =	vst v13  }
0xbc: {  	v13 =	vor.u32 s23, v7;
	v17 =	vadd.f32 v17, v9;
	[tilespmem:s7+$0xFFFFFF50] =	vst v25;
	v24 =	vld.idx.msk [tilespmem:v24+s14+$0x0], $0xffff  }
0xbd: {  	[tilespmem:s28+$0xE0] =	vst v16;
	v16 =	vadd.f32 v21, v10;
	v21 =	vor.u32 s6, v7;
	v25 =	vld.idx.msk [tilespmem:v27+s14+$0x0], $0xffff  }
0xbe: {  	v27 =	vld.idx.msk [tilespmem:v28+s14+$0x0], $0xffff;
	v23 =	vadd.f32 v23, v8;
	[tilespmem:s28+$0xFFFFFFE0] =	vst v17;
	v17 =	vor.u32 s30, v7  }
0xbf: {  	v15 =	vld.idx.msk [tilespmem:v15+s14+$0x0], $0xffff;
	[tilespmem:s28+$0x60] =	vst v16;
	v16 =	vadd.f32 v20, v18;
	v20 =	vor.u32 s0, v7  }
0xc0: {  	[tilespmem:s28+$0xFFFFFF60] =	vst v23;
	v23 =	vld.idx.msk [tilespmem:v26+s14+$0x0], $0xffff;
	v26 =	vor.u32 s26, v7;
	v22 =	vadd.f32 v22, v14  }
0xc1: {  	v13 =	vld.idx.msk [tilespmem:v13+s14+$0x0], $0xffff;
	[tilespmem:s7+$0xE0] =	vst v16;
	v16 =	vadd.f32 v24, v19  }
0xc2: {  	v24 =	vadd.f32 v25, v12;
	[tilespmem:s7+$0xFFFFFFE0] =	vst v22;
	v21 =	vld.idx.msk [tilespmem:v21+s14+$0x0], $0xffff  }
0xc3: {  	v11 =	vadd.f32 v27, v11;
	v17 =	vld.idx.msk [tilespmem:v17+s14+$0x0], $0xffff;
	[tilespmem:s7+$0x60] =	vst v16  }
0xc4: {  	v9 =	vadd.f32 v15, v9;
	[tilespmem:s7+$0xFFFFFF60] =	vst v24;
	v15 =	vld.idx.msk [tilespmem:v20+s14+$0x0], $0xffff  }
0xc5: {  	[tilespmem:s28+$0xF0] =	vst v11;
	v10 =	vadd.f32 v23, v10;
	v11 =	vld.idx.msk [tilespmem:v26+s14+$0x0], $0xffff  }
0xc6: {  	v8 =	vadd.f32 v13, v8;
	[tilespmem:s28+$0xFFFFFFF0] =	vst v9  }
0xc7: {  	[tilespmem:s28+$0x70] =	vst v10;
	v9 =	vadd.f32 v21, v18  }
0xc8: {  	[tilespmem:s28+$0xFFFFFF70] =	vst v8;
	v8 =	vadd.f32 v17, v14  }
0xc9: {  	s3 =	sshll.u32 s21, $0x13;
	[tilespmem:s7+$0xF0] =	vst v9;
	v9 =	vadd.f32 v15, v19  }
0xca: {  	s0 =	sor.u32 s4, s3;
	v10 =	vadd.f32 v11, v12;
	[tilespmem:s7+$0xFFFFFFF0] =	vst v8  }
0xcb: {  	s23 =	sor.u32 $0x1, s2;
	s0 =	sshrl.u32 s0, $0x3;
	[tilespmem:s7+$0x70] =	vst v9  }
0xcc: {  	p1 =	sgt.u32 s23, $0xC6;
	s6 =	sshll.u32 s23, $0x6;
	s0 =	sadd.s32 s1, s0;
	[tilespmem:s7+$0xFFFFFF70] =	vst v10  }
0xcd: {  	[hbm4b:s0+s11] =	stream.strided.scatter [tilespmem:s17], [sflag:$0x2], $0x2000, s12, s11, $0x38;
	[tilespmem:$0x15600] =	vst v63  }
0xce: {  	s2 =	simm.s32 @!p1 $0x80;
	s3 =	simm.s32 @!p1 $0x6400;
	s0 =	sadd.s32 @!p1 $0x100, s22  }
0xcf: {  	[tilespmem:s3], [sflag:$0x1] =	stream.indirect.gather @!p1 [hbm4b:s5+s2], $0x80, s0, s2, $0xb8;
	[tilespmem:$0x15600] =	vst v63  }
0xd0: {  	v18 =	vmov s6;
	s6 =	simm.s32 $0x0;
	_ =	swait.ge [sflag:s16], $0x4000  }
0xd1: {  	v8 =	vor.u32 s6, v18;
	s7 =	simm.s32 $0x1;
	[sflag:s16] =	ssyncset.done $0x0  }
0xd2: {  	s8 =	simm.s32 $0x3;
	v9 =	vor.u32 s7, v18;
	s0 =	simm.s32 @!p0 $0x2;
	[sflag:s16] =	ssyncadd.s32 $0xFFFFC000  }
0xd3: {  	v11 =	vor.u32 s8, v18;
	_ =	swait.ge @!p0 [sflag:s0], $0x2000  }
0xd4: {  	v12 =	vor.u32 s8, v0;
	[sflag:s0] =	ssyncset.done @!p0 $0x0  }
0xd5: {  	[sflag:s0] =	ssyncadd.s32 @!p0 $0xFFFFE000  }
0xd6: {  	v14 =	vld.idx.msk [tilespmem:v8+s9+$0x0], $0xffff  }
0xd7: {  	v10 =	vor.u32 s7, v0;
	s3 =	simm.s32 $0x2;
	v15 =	vld.idx.msk [tilespmem:v9+s9+$0x0], $0xffff  }
0xd8: {  	v8 =	vor.u32 s3, v18;
	v17 =	vld.idx.msk [tilespmem:v11+s9+$0x0], $0xffff  }
0xd9: {  	v9 =	vor.u32 s3, v0;
	v11 =	vld.idx.msk [tilespmem:v12+s15+$0x0], $0xffff  }
0xda: {  	v13 =	vor.u32 s6, v0;
	_ =	sdelay $0x1  }
0xdb: {  	v10 =	vld.idx.msk [tilespmem:v10+s15+$0x0], $0xffff;
	v12 =	vor.u32 s8, v1  }
0xdc: {  	v16 =	vld.idx.msk [tilespmem:v8+s9+$0x0], $0xffff  }
0xdd: {  	v8 =	vld.idx.msk [tilespmem:v9+s15+$0x0], $0xffff;
	v11 =	vadd.f32 v11, v17  }
0xde: {  	s31 =	simm.s32 $0x105F0;
	v9 =	vld.idx.msk [tilespmem:v13+s15+$0x0], $0xffff;
	v13 =	vor.u32 s7, v1  }
0xdf: {  	[tilespmem:s31+$0xFFFFFF90] =	vst v11  }
0xe0: {  	v19 =	vor.u32 s3, v1;
	v10 =	vadd.f32 v10, v15;
	v11 =	vld.idx.msk [tilespmem:v12+s15+$0x0], $0xffff  }
0xe1: {  	v20 =	vor.u32 s6, v1  }
0xe2: {  	[tilespmem:s31+$0xFFFFFE90] =	vst v10;
	v8 =	vadd.f32 v8, v16  }
0xe3: {  	v9 =	vadd.f32 v9, v14;
	v10 =	vld.idx.msk [tilespmem:v13+s15+$0x0], $0xffff  }
0xe4: {  	v12 =	vor.u32 s8, v2;
	[tilespmem:s31+$0xFFFFFF10] =	vst v8  }
0xe5: {  	[tilespmem:s31+$0xFFFFFE10] =	vst v9;
	v8 =	vld.idx.msk [tilespmem:v19+s15+$0x0], $0xffff;
	v11 =	vadd.f32 v11, v17  }
0xe6: {  	s22 =	simm.s32 $0x4;
	v13 =	vor.u32 s7, v2;
	v9 =	vld.idx.msk [tilespmem:v20+s15+$0x0], $0xffff  }
0xe7: {  	[tilespmem:s31+$0xFFFFFFA0] =	vst v11;
	v11 =	vor.u32 s22, v0  }
0xe8: {  	v19 =	vor.u32 s3, v2;
	v10 =	vadd.f32 v10, v15  }
0xe9: {  	v20 =	vor.u32 s6, v2;
	v12 =	vld.idx.msk [tilespmem:v12+s15+$0x0], $0xffff  }
0xea: {  	s24 =	simm.s32 $0x5;
	v21 =	vor.u32 s22, v18;
	[tilespmem:s31+$0xFFFFFEA0] =	vst v10;
	v8 =	vadd.f32 v8, v16  }
0xeb: {  	v10 =	vor.u32 s24, v18;
	v9 =	vadd.f32 v9, v14;
	v13 =	vld.idx.msk [tilespmem:v13+s15+$0x0], $0xffff  }
0xec: {  	v23 =	vor.u32 s8, v3;
	[tilespmem:s31+$0xFFFFFF20] =	vst v8;
	v24 =	vld.idx.msk [tilespmem:v11+s15+$0x0], $0xffff  }
0xed: {  	[tilespmem:s31+$0xFFFFFE20] =	vst v9;
	v19 =	vld.idx.msk [tilespmem:v19+s15+$0x0], $0xffff  }
0xee: {  	v22 =	vor.u32 s24, v0;
	v20 =	vld.idx.msk [tilespmem:v20+s15+$0x0], $0xffff;
	v11 =	vadd.f32 v12, v17  }
0xef: {  	v8 =	vld.idx.msk [tilespmem:v21+s9+$0x0], $0xffff;
	v21 =	vor.u32 s7, v3  }
0xf0: {  	v12 =	vor.u32 s3, v3;
	v9 =	vld.idx.msk [tilespmem:v10+s9+$0x0], $0xffff;
	[tilespmem:s31+$0xFFFFFFB0] =	vst v11  }
0xf1: {  	s25 =	simm.s32 $0x6;
	v10 =	vor.u32 s6, v3;
	v13 =	vadd.f32 v13, v15;
	v23 =	vld.idx.msk [tilespmem:v23+s15+$0x0], $0xffff  }
0xf2: {  	v25 =	vor.u32 s25, v18;
	v11 =	vadd.f32 v19, v16  }
0xf3: {  	v22 =	vld.idx.msk [tilespmem:v22+s15+$0x0], $0xffff;
	[tilespmem:s31+$0xFFFFFEB0] =	vst v13;
	v19 =	vor.u32 s25, v0;
	v20 =	vadd.f32 v20, v14  }
0xf4: {  	s29 =	simm.s32 $0x7;
	v26 =	vor.u32 s8, v4;
	v13 =	vld.idx.msk [tilespmem:v21+s15+$0x0], $0xffff;
	[tilespmem:s31+$0xFFFFFF30] =	vst v11  }
0xf5: {  	v11 =	vor.u32 s29, v18;
	[tilespmem:s31+$0xFFFFFE30] =	vst v20;
	v12 =	vld.idx.msk [tilespmem:v12+s15+$0x0], $0xffff  }
0xf6: {  	v20 =	vor.u32 s29, v0;
	v21 =	vld.idx.msk [tilespmem:v10+s15+$0x0], $0xffff;
	v23 =	vadd.f32 v23, v17  }
0xf7: {  	s26 =	simm.s32 $0x8;
	v10 =	vld.idx.msk [tilespmem:v25+s9+$0x0], $0xffff;
	v25 =	vor.u32 s7, v4  }
0xf8: {  	v19 =	vld.idx.msk [tilespmem:v19+s15+$0x0], $0xffff;
	[tilespmem:s31+$0xFFFFFFC0] =	vst v23;
	v23 =	vor.u32 s26, v18  }
0xf9: {  	v29 =	vor.u32 s26, v0;
	v13 =	vadd.f32 v13, v15;
	v26 =	vld.idx.msk [tilespmem:v26+s15+$0x0], $0xffff  }
0xfa: {  	v27 =	vor.u32 s3, v4;
	v11 =	vld.idx.msk [tilespmem:v11+s9+$0x0], $0xffff  }
0xfb: {  	s30 =	simm.s32 $0x9;
	v28 =	vor.u32 s6, v4;
	v20 =	vld.idx.msk [tilespmem:v20+s15+$0x0], $0xffff;
	[tilespmem:s31+$0xFFFFFEC0] =	vst v13;
	v12 =	vadd.f32 v12, v16  }
0xfc: {  	v13 =	vor.u32 s30, v18;
	v21 =	vadd.f32 v21, v14;
	v25 =	vld.idx.msk [tilespmem:v25+s15+$0x0], $0xffff  }
0xfd: {  	v30 =	vor.u32 s30, v0;
	[tilespmem:s31+$0xFFFFFF40] =	vst v12;
	v12 =	vld.idx.msk [tilespmem:v23+s9+$0x0], $0xffff  }
0xfe: {  	v51 =	vor.u32 s25, v1;
	v24 =	vadd.f32 v24, v8;
	[tilespmem:s31+$0xFFFFFE40] =	vst v21;
	v21 =	vld.idx.msk [tilespmem:v29+s15+$0x0], $0xffff  }
0xff: {  	v31 =	vor.u32 s29, v1;
	s28 =	simm.s32 $0x107F0;
	v22 =	vadd.f32 v22, v9;
	v27 =	vld.idx.msk [tilespmem:v27+s15+$0x0], $0xffff  }
0x100: {  	[tilespmem:s28+$0xFFFFFE10] =	vst v24;
	v23 =	vor.u32 s8, v5;
	v19 =	vadd.f32 v19, v10;
	v28 =	vld.idx.msk [tilespmem:v28+s15+$0x0], $0xffff  }
0x101: {  	[tilespmem:s28+$0xFFFFFE90] =	vst v22;
	v29 =	vor.u32 s24, v1;
	v50 =	vadd.f32 v20, v11;
	v13 =	vld.idx.msk [tilespmem:v13+s9+$0x0], $0xffff  }
0x102: {  	v52 =	vor.u32 s7, v5;
	v26 =	vadd.f32 v26, v17;
	v20 =	vld.idx.msk [tilespmem:v30+s15+$0x0], $0xffff;
	[tilespmem:s28+$0xFFFFFF10] =	vst v19  }
0x103: {  	v30 =	vor.u32 s22, v1;
	v24 =	vld.idx.msk [tilespmem:v51+s15+$0x0], $0xffff;
	[tilespmem:s28+$0xFFFFFF90] =	vst v50  }
0x104: {  	v22 =	vor.u32 s3, v5;
	[tilespmem:s31+$0xFFFFFFD0] =	vst v26;
	v25 =	vadd.f32 v25, v15;
	v31 =	vld.idx.msk [tilespmem:v31+s15+$0x0], $0xffff  }
0x105: {  	s0 =	simm.s32 $0xA;
	v19 =	vor.u32 s6, v5;
	v23 =	vld.idx.msk [tilespmem:v23+s15+$0x0], $0xffff  }
0x106: {  	v26 =	vld.idx.msk [tilespmem:v29+s15+$0x0], $0xffff;
	v29 =	vor.u32 s0, v18;
	[tilespmem:s31+$0xFFFFFED0] =	vst v25;
	v27 =	vadd.f32 v27, v16  }
0x107: {  	v53 =	vor.u32 s29, v2;
	v28 =	vadd.f32 v28, v14;
	v25 =	vld.idx.msk [tilespmem:v52+s15+$0x0], $0xffff  }
0x108: {  	v30 =	vld.idx.msk [tilespmem:v30+s15+$0x0], $0xffff;
	[tilespmem:s31+$0xFFFFFF50] =	vst v27;
	v27 =	vor.u32 s8, v6  }
0x109: {  	v54 =	vor.u32 s24, v2;
	[tilespmem:s31+$0xFFFFFE50] =	vst v28;
	v22 =	vld.idx.msk [tilespmem:v22+s15+$0x0], $0xffff;
	v31 =	vadd.f32 v31, v11  }
0x10a: {  	v28 =	vor.u32 s25, v2;
	v55 =	vld.idx.msk [tilespmem:v19+s15+$0x0], $0xffff;
	v23 =	vadd.f32 v23, v17  }
0x10b: {  	v19 =	vld.idx.msk [tilespmem:v29+s9+$0x0], $0xffff;
	v29 =	vor.u32 s22, v2;
	v26 =	vadd.f32 v26, v9;
	[tilespmem:s28+$0xFFFFFFA0] =	vst v31  }
0x10c: {  	v56 =	vor.u32 s7, v6;
	v24 =	vadd.f32 v24, v10;
	[tilespmem:s31+$0xFFFFFFE0] =	vst v23;
	v31 =	vld.idx.msk [tilespmem:v53+s15+$0x0], $0xffff  }
0x10d: {  	v23 =	vadd.f32 v30, v8;
	[tilespmem:s28+$0xFFFFFEA0] =	vst v26;
	v26 =	vor.u32 s3, v6;
	v27 =	vld.idx.msk [tilespmem:v27+s15+$0x0], $0xffff  }
0x10e: {  	[tilespmem:s28+$0xFFFFFF20] =	vst v24;
	v24 =	vor.u32 s6, v6;
	v25 =	vadd.f32 v25, v15;
	v30 =	vld.idx.msk [tilespmem:v54+s15+$0x0], $0xffff  }
0x10f: {  	v57 =	vor.u32 s0, v0;
	[tilespmem:s28+$0xFFFFFE20] =	vst v23;
	v23 =	vld.idx.msk [tilespmem:v28+s15+$0x0], $0xffff;
	v22 =	vadd.f32 v22, v16  }
0x110: {  	[tilespmem:s31+$0xFFFFFEE0] =	vst v25;
	v34 =	vadd.f32 v55, v14;
	v28 =	vld.idx.msk [tilespmem:v29+s15+$0x0], $0xffff;
	v29 =	vor.u32 s29, v3  }
0x111: {  	v58 =	vor.u32 s8, v7;
	v25 =	vld.idx.msk [tilespmem:v56+s15+$0x0], $0xffff;
	[tilespmem:s31+$0xFFFFFF60] =	vst v22  }
0x112: {  	v59 =	vor.u32 s24, v3;
	[tilespmem:s31+$0xFFFFFE60] =	vst v34;
	v26 =	vld.idx.msk [tilespmem:v26+s15+$0x0], $0xffff;
	v31 =	vadd.f32 v31, v11  }
0x113: {  	v60 =	vor.u32 s25, v3;
	v61 =	vld.idx.msk [tilespmem:v24+s15+$0x0], $0xffff;
	v24 =	vadd.f32 v27, v17  }
0x114: {  	v62 =	vor.u32 s22, v3;
	v22 =	vld.idx.msk [tilespmem:v57+s15+$0x0], $0xffff;
	v27 =	vadd.f32 v30, v9;
	[tilespmem:s28+$0xFFFFFFB0] =	vst v31  }
0x115: {  	v30 =	vadd.f32 v23, v10;
	[tilespmem:s31+$0xFFFFFFF0] =	vst v24;
	v23 =	vld.idx.msk [tilespmem:v29+s15+$0x0], $0xffff;
	v29 =	vor.u32 s7, v7  }
0x116: {  	v31 =	vadd.f32 v28, v8;
	[tilespmem:s28+$0xFFFFFEB0] =	vst v27;
	v28 =	vor.u32 s3, v7;
	v27 =	vld.idx.msk [tilespmem:v58+s15+$0x0], $0xffff  }
0x117: {  	s2 =	simm.s32 $0xB;
	v63 =	vadd.f32 v25, v15;
	v24 =	vld.idx.msk [tilespmem:v59+s15+$0x0], $0xffff;
	[tilespmem:s28+$0xFFFFFF30] =	vst v30;
	v30 =	vor.u32 s6, v7  }
0x118: {  	v33 =	vor.u32 s2, v18;
	[tilespmem:s28+$0xFFFFFE30] =	vst v31;
	v25 =	vld.idx.msk [tilespmem:v60+s15+$0x0], $0xffff;
	v31 =	vadd.f32 v26, v16  }
0x119: {  	v34 =	vor.u32 s2, v0;
	s6 =	simm.s32 $0xC;
	[tilespmem:s31+$0xFFFFFEF0] =	vst v63;
	v32 =	vadd.f32 v61, v14;
	v26 =	vld.idx.msk [tilespmem:v62+s15+$0x0], $0xffff  }
.LBB2_5:
0x11a: {  	p0 =	slt.u32 s6, $0x3C;
	v35 =	vor.u32 s29, v4;
	v29 =	vld.idx.msk [tilespmem:v29+s15+$0x0], $0xffff;
	[tilespmem:s31+$0xFFFFFF70] =	vst v31  }
0x11b: {  	v31 =	vor.u32 s24, v4;
	v23 =	vadd.f32 v23, v11;
	[tilespmem:s31+$0xFFFFFE70] =	vst v32;
	v28 =	vld.idx.msk [tilespmem:v28+s15+$0x0], $0xffff  }
0x11c: {  	v32 =	vor.u32 s25, v4;
	v27 =	vadd.f32 v27, v17;
	v17 =	vmov v11;
	v30 =	vld.idx.msk [tilespmem:v30+s15+$0x0], $0xffff  }
0x11d: {  	v24 =	vadd.f32 v24, v9;
	v11 =	vld.idx.msk [tilespmem:v33+s9+$0x0], $0xffff;
	v33 =	vor.u32 s22, v4;
	[tilespmem:s28+$0xFFFFFFC0] =	vst v23  }
0x11e: {  	v23 =	vor.u32 s6, v18;
	v25 =	vadd.f32 v25, v10;
	v34 =	vld.idx.msk [tilespmem:v34+s15+$0x0], $0xffff;
	[tilespmem:s31+$0x0] =	vst v27  }
0x11f: {  	s7 =	sadd.s32 $0x1, s6;
	v27 =	vor.u32 s6, v0;
	v26 =	vadd.f32 v26, v8;
	[tilespmem:s28+$0xFFFFFEC0] =	vst v24;
	v24 =	vld.idx.msk [tilespmem:v35+s15+$0x0], $0xffff  }
0x120: {  	v35 =	vor.u32 s7, v18;
	v31 =	vld.idx.msk [tilespmem:v31+s15+$0x0], $0xffff;
	[tilespmem:s28+$0xFFFFFF40] =	vst v25;
	v25 =	vadd.f32 v29, v15;
	v15 =	vmovc v9;
	v9 =	vmov v13  }
0x121: {  	v29 =	vor.u32 s7, v0;
	v13 =	vadd.f32 v28, v16;
	v16 =	vmovc v10;
	v10 =	vmov v19;
	[tilespmem:s28+$0xFFFFFE40] =	vst v26;
	v26 =	vld.idx.msk [tilespmem:v32+s15+$0x0], $0xffff  }
0x122: {  	v19 =	vor.u32 s2, v1;
	v30 =	vadd.f32 v30, v14;
	v14 =	vmovc v8;
	v8 =	vmov v12;
	v28 =	vld.idx.msk [tilespmem:v33+s15+$0x0], $0xffff;
	[tilespmem:s31+$0xFFFFFF00] =	vst v25  }
0x123: {  	v12 =	vld.idx.msk [tilespmem:v23+s9+$0x0], $0xffff;
	v23 =	vor.u32 s29, v5;
	[tilespmem:s31+$0xFFFFFF80] =	vst v13  }
0x124: {  	v32 =	vadd.f32 v34, v11;
	v25 =	vld.idx.msk [tilespmem:v27+s15+$0x0], $0xffff;
	v27 =	vor.u32 s30, v1;
	[tilespmem:s31+$0xFFFFFE80] =	vst v30;
	s31 =	smov.u32 s28  }
0x125: {  	v30 =	vor.u32 s0, v1;
	v24 =	vadd.f32 v24, v17;
	s28 =	sadd.s32 $0x200, s28;
	v13 =	vld.idx.msk [tilespmem:v35+s9+$0x0], $0xffff  }
0x126: {  	v33 =	vor.u32 s26, v1;
	v34 =	vadd.f32 v20, v9;
	v20 =	vld.idx.msk [tilespmem:v29+s15+$0x0], $0xffff;
	[tilespmem:s28+$0xFFFFFF90] =	vst v32;
	v29 =	vadd.f32 v31, v15  }
0x127: {  	v22 =	vadd.f32 v22, v10;
	v31 =	vor.u32 s24, v5;
	v26 =	vadd.f32 v26, v16;
	v19 =	vld.idx.msk [tilespmem:v19+s15+$0x0], $0xffff;
	[tilespmem:s31+$0xFFFFFFD0] =	vst v24  }
0x128: {  	v35 =	vadd.f32 v21, v8;
	v24 =	vadd.f32 v28, v14;
	v28 =	vor.u32 s25, v5;
	[tilespmem:s28+$0xFFFFFE90] =	vst v34;
	v23 =	vld.idx.msk [tilespmem:v23+s15+$0x0], $0xffff  }
0x129: {  	s3 =	sadd.s32 $0x2, s6;
	v27 =	vld.idx.msk [tilespmem:v27+s15+$0x0], $0xffff;
	[tilespmem:s28+$0xFFFFFF10] =	vst v22;
	v22 =	vor.u32 s22, v5  }
0x12a: {  	v32 =	vor.u32 s3, v18;
	v21 =	vmov v25;
	[tilespmem:s28+$0xFFFFFE10] =	vst v35;
	v30 =	vld.idx.msk [tilespmem:v30+s15+$0x0], $0xffff  }
0x12b: {  	v25 =	vld.idx.msk [tilespmem:v33+s15+$0x0], $0xffff;
	v33 =	vor.u32 s2, v2;
	[tilespmem:s31+$0xFFFFFED0] =	vst v29  }
0x12c: {  	v29 =	vld.idx.msk [tilespmem:v31+s15+$0x0], $0xffff;
	[tilespmem:s31+$0xFFFFFF50] =	vst v26;
	v26 =	vor.u32 s29, v6  }
0x12d: {  	v31 =	vor.u32 s30, v2;
	v34 =	vadd.f32 v19, v11;
	[tilespmem:s31+$0xFFFFFE50] =	vst v24;
	v24 =	vld.idx.msk [tilespmem:v28+s15+$0x0], $0xffff  }
0x12e: {  	v28 =	vor.u32 s0, v2;
	v23 =	vadd.f32 v23, v17;
	v22 =	vld.idx.msk [tilespmem:v22+s15+$0x0], $0xffff  }
0x12f: {  	v27 =	vadd.f32 v27, v9;
	v19 =	vld.idx.msk [tilespmem:v32+s9+$0x0], $0xffff;
	v32 =	vor.u32 s26, v2;
	[tilespmem:s28+$0xFFFFFFA0] =	vst v34  }
0x130: {  	v30 =	vadd.f32 v30, v10;
	v34 =	vor.u32 s24, v6;
	v33 =	vld.idx.msk [tilespmem:v33+s15+$0x0], $0xffff;
	[tilespmem:s31+$0xFFFFFFE0] =	vst v23  }
0x131: {  	v23 =	vadd.f32 v25, v8;
	v25 =	vor.u32 s25, v6;
	[tilespmem:s28+$0xFFFFFEA0] =	vst v27;
	v26 =	vld.idx.msk [tilespmem:v26+s15+$0x0], $0xffff  }
0x132: {  	v29 =	vadd.f32 v29, v15;
	v27 =	vld.idx.msk [tilespmem:v31+s15+$0x0], $0xffff;
	[tilespmem:s28+$0xFFFFFF20] =	vst v30;
	v30 =	vor.u32 s22, v6  }
0x133: {  	v31 =	vor.u32 s3, v0;
	v24 =	vadd.f32 v24, v16;
	[tilespmem:s28+$0xFFFFFE20] =	vst v23;
	v23 =	vld.idx.msk [tilespmem:v28+s15+$0x0], $0xffff  }
0x134: {  	v22 =	vadd.f32 v22, v14;
	v28 =	vld.idx.msk [tilespmem:v32+s15+$0x0], $0xffff;
	v32 =	vor.u32 s2, v3;
	[tilespmem:s31+$0xFFFFFEE0] =	vst v29  }
0x135: {  	v34 =	vld.idx.msk [tilespmem:v34+s15+$0x0], $0xffff;
	[tilespmem:s31+$0xFFFFFF60] =	vst v24;
	v24 =	vor.u32 s29, v7;
	s29 =	smov.u32 s2  }
0x136: {  	v35 =	vor.u32 s30, v3;
	v29 =	vadd.f32 v33, v11;
	[tilespmem:s31+$0xFFFFFE60] =	vst v22;
	v36 =	vld.idx.msk [tilespmem:v25+s15+$0x0], $0xffff  }
0x137: {  	v25 =	vor.u32 s0, v3;
	v26 =	vadd.f32 v26, v17;
	v37 =	vld.idx.msk [tilespmem:v30+s15+$0x0], $0xffff  }
0x138: {  	v38 =	vor.u32 s26, v3;
	v27 =	vadd.f32 v27, v9;
	v22 =	vld.idx.msk [tilespmem:v31+s15+$0x0], $0xffff;
	[tilespmem:s28+$0xFFFFFFB0] =	vst v29  }
.Ltmp1:
0x139: {  	v30 =	vadd.f32 v23, v10;
	v29 =	vor.u32 s24, v7;
	s24 =	smov.u32 s30;
	s30 =	smov.u32 s7;
	v23 =	vld.idx.msk [tilespmem:v32+s15+$0x0], $0xffff;
	[tilespmem:s31+$0xFFFFFFF0] =	vst v26;
	(pc) =	sbr.rel @p0 .LBB2_5-.Ltmp1, $4  }
0x13a: {  	v26 =	vadd.f32 v28, v8;
	v28 =	vor.u32 s25, v7;
	s25 =	smov.u32 s0;
	s0 =	smov.u32 s3;
	[tilespmem:s28+$0xFFFFFEB0] =	vst v27;
	v27 =	vld.idx.msk [tilespmem:v24+s15+$0x0], $0xffff  }
0x13b: {  	s2 =	sadd.s32 $0x3, s6;
	v24 =	vld.idx.msk [tilespmem:v35+s15+$0x0], $0xffff;
	[tilespmem:s28+$0xFFFFFF30] =	vst v30;
	v30 =	vor.u32 s22, v7;
	v35 =	vadd.f32 v34, v15;
	s22 =	smov.u32 s26;
	s26 =	smov.u32 s6  }
0x13c: {  	v33 =	vor.u32 s2, v18;
	v31 =	vadd.f32 v36, v16;
	[tilespmem:s28+$0xFFFFFE30] =	vst v26;
	v25 =	vld.idx.msk [tilespmem:v25+s15+$0x0], $0xffff  }
0x13d: {  	v34 =	vor.u32 s2, v0;
	s6 =	sadd.s32 $0x4, s6;
	v32 =	vadd.f32 v37, v14;
	v26 =	vld.idx.msk [tilespmem:v38+s15+$0x0], $0xffff;
	[tilespmem:s31+$0xFFFFFEF0] =	vst v35  }
0x13e: {  	_ =	sdelay $0x3  }
0x13f: {  	v18 =	vld.idx.msk [tilespmem:v33+s9+$0x0], $0xffff  }
0x140: {  	v39 =	vld.idx.msk [tilespmem:v34+s15+$0x0], $0xffff;
	v35 =	vor.u32 s30, v1  }
0x141: {  	v36 =	vor.u32 s0, v1  }
0x142: {  	v37 =	vor.u32 s26, v1;
	v20 =	vadd.f32 v20, v13  }
0x143: {  	v40 =	vor.u32 s2, v1;
	s6 =	sadd.s32 $0x200, s28;
	v22 =	vadd.f32 v22, v19  }
0x144: {  	v21 =	vadd.f32 v21, v12;
	[tilespmem:s6+$0xFFFFFE90] =	vst v20  }
0x145: {  	[tilespmem:s6+$0xFFFFFF10] =	vst v22;
	v33 =	vadd.f32 v39, v18;
	v42 =	vld.idx.msk [tilespmem:v35+s15+$0x0], $0xffff  }
0x146: {  	[tilespmem:s6+$0xFFFFFE10] =	vst v21;
	v43 =	vld.idx.msk [tilespmem:v36+s15+$0x0], $0xffff  }
0x147: {  	v44 =	vld.idx.msk [tilespmem:v37+s15+$0x0], $0xffff;
	[tilespmem:s6+$0xFFFFFF90] =	vst v33  }
0x148: {  	v46 =	vor.u32 s30, v2;
	v41 =	vld.idx.msk [tilespmem:v40+s15+$0x0], $0xffff  }
0x149: {  	v47 =	vor.u32 s0, v2  }
0x14a: {  	[tilespmem:s31+$0xFFFFFF70] =	vst v31;
	v48 =	vor.u32 s26, v2;
	v33 =	vadd.f32 v42, v13  }
0x14b: {  	v45 =	vor.u32 s2, v2;
	v29 =	vld.idx.msk [tilespmem:v29+s15+$0x0], $0xffff;
	[tilespmem:s31+$0xFFFFFE70] =	vst v32;
	v21 =	vadd.f32 v43, v19  }
0x14c: {  	v49 =	vld.idx.msk [tilespmem:v30+s15+$0x0], $0xffff;
	v22 =	vadd.f32 v44, v12;
	[tilespmem:s6+$0xFFFFFEA0] =	vst v33  }
0x14d: {  	[tilespmem:s6+$0xFFFFFF20] =	vst v21;
	v20 =	vadd.f32 v41, v18;
	v51 =	vld.idx.msk [tilespmem:v46+s15+$0x0], $0xffff  }
0x14e: {  	v23 =	vadd.f32 v23, v11;
	[tilespmem:s6+$0xFFFFFE20] =	vst v22;
	v21 =	vld.idx.msk [tilespmem:v47+s15+$0x0], $0xffff  }
0x14f: {  	v17 =	vadd.f32 v27, v17;
	v52 =	vld.idx.msk [tilespmem:v48+s15+$0x0], $0xffff;
	[tilespmem:s6+$0xFFFFFFA0] =	vst v20  }
0x150: {  	v54 =	vor.u32 s30, v3;
	[tilespmem:s28+$0xFFFFFFC0] =	vst v23;
	v15 =	vadd.f32 v29, v15;
	v50 =	vld.idx.msk [tilespmem:v45+s15+$0x0], $0xffff  }
0x151: {  	v56 =	vor.u32 s0, v3;
	[tilespmem:s31+$0x0] =	vst v17;
	v14 =	vadd.f32 v49, v14  }
0x152: {  	v57 =	vor.u32 s26, v3;
	[tilespmem:s31+$0xFFFFFF00] =	vst v15;
	v27 =	vadd.f32 v51, v13  }
0x153: {  	v53 =	vor.u32 s2, v3;
	[tilespmem:s31+$0xFFFFFE80] =	vst v14;
	v59 =	vadd.f32 v21, v19  }
0x154: {  	v58 =	vor.u32 s29, v4;
	v28 =	vld.idx.msk [tilespmem:v28+s15+$0x0], $0xffff;
	v17 =	vadd.f32 v52, v12;
	[tilespmem:s6+$0xFFFFFEB0] =	vst v27  }
0x155: {  	v61 =	vor.u32 s25, v4;
	[tilespmem:s6+$0xFFFFFF30] =	vst v59;
	v55 =	vadd.f32 v50, v18;
	v15 =	vld.idx.msk [tilespmem:v54+s15+$0x0], $0xffff  }
0x156: {  	v62 =	vor.u32 s22, v4;
	v24 =	vadd.f32 v24, v9;
	[tilespmem:s6+$0xFFFFFE30] =	vst v17;
	v63 =	vld.idx.msk [tilespmem:v56+s15+$0x0], $0xffff  }
0x157: {  	v60 =	vor.u32 s24, v4;
	v32 =	vadd.f32 v25, v10;
	v14 =	vld.idx.msk [tilespmem:v57+s15+$0x0], $0xffff;
	[tilespmem:s6+$0xFFFFFFB0] =	vst v55  }
0x158: {  	v34 =	vadd.f32 v26, v8;
	[tilespmem:s28+$0xFFFFFEC0] =	vst v24;
	v36 =	vor.u32 s30, v4;
	v22 =	vld.idx.msk [tilespmem:v53+s15+$0x0], $0xffff  }
0x159: {  	v38 =	vor.u32 s0, v4;
	v35 =	vld.idx.msk [tilespmem:v58+s15+$0x0], $0xffff;
	[tilespmem:s28+$0xFFFFFF40] =	vst v32;
	v16 =	vadd.f32 v28, v16  }
0x15a: {  	[tilespmem:s28+$0xFFFFFE40] =	vst v34;
	v39 =	vld.idx.msk [tilespmem:v61+s15+$0x0], $0xffff;
	v40 =	vor.u32 s26, v4;
	v15 =	vadd.f32 v15, v13  }
0x15b: {  	[tilespmem:s31+$0xFFFFFF80] =	vst v16;
	v16 =	vld.idx.msk [tilespmem:v62+s15+$0x0], $0xffff;
	v33 =	vor.u32 s2, v4;
	v17 =	vadd.f32 v63, v19  }
0x15c: {  	v41 =	vor.u32 s29, v5;
	v21 =	vld.idx.msk [tilespmem:v60+s15+$0x0], $0xffff;
	v14 =	vadd.f32 v14, v12;
	[tilespmem:s6+$0xFFFFFEC0] =	vst v15  }
0x15d: {  	v45 =	vor.u32 s25, v5;
	[tilespmem:s6+$0xFFFFFF40] =	vst v17;
	v37 =	vadd.f32 v22, v18;
	v26 =	vld.idx.msk [tilespmem:v36+s15+$0x0], $0xffff  }
0x15e: {  	v44 =	vadd.f32 v35, v11;
	v47 =	vor.u32 s22, v5;
	[tilespmem:s6+$0xFFFFFE40] =	vst v14;
	v48 =	vld.idx.msk [tilespmem:v38+s15+$0x0], $0xffff  }
0x15f: {  	v42 =	vor.u32 s24, v5;
	v49 =	vadd.f32 v39, v10;
	v50 =	vld.idx.msk [tilespmem:v40+s15+$0x0], $0xffff;
	[tilespmem:s6+$0xFFFFFFC0] =	vst v37  }
0x160: {  	[tilespmem:s28+$0xFFFFFFD0] =	vst v44;
	v16 =	vadd.f32 v16, v8;
	v53 =	vor.u32 s30, v5;
	v43 =	vld.idx.msk [tilespmem:v33+s15+$0x0], $0xffff  }
0x161: {  	[tilespmem:s28+$0xFFFFFF50] =	vst v49;
	v52 =	vld.idx.msk [tilespmem:v41+s15+$0x0], $0xffff;
	v54 =	vor.u32 s0, v5;
	v46 =	vadd.f32 v21, v9  }
0x162: {  	[tilespmem:s28+$0xFFFFFE50] =	vst v16;
	v57 =	vor.u32 s26, v5;
	v55 =	vld.idx.msk [tilespmem:v45+s15+$0x0], $0xffff;
	v56 =	vadd.f32 v26, v13  }
0x163: {  	v51 =	vor.u32 s2, v5;
	v21 =	vld.idx.msk [tilespmem:v47+s15+$0x0], $0xffff;
	[tilespmem:s28+$0xFFFFFED0] =	vst v46;
	v14 =	vadd.f32 v48, v19  }
0x164: {  	v58 =	vor.u32 s29, v6;
	v20 =	vld.idx.msk [tilespmem:v42+s15+$0x0], $0xffff;
	v23 =	vadd.f32 v50, v12;
	[tilespmem:s6+$0xFFFFFED0] =	vst v56  }
0x165: {  	v61 =	vor.u32 s25, v6;
	[tilespmem:s6+$0xFFFFFF50] =	vst v14;
	v15 =	vadd.f32 v43, v18;
	v17 =	vld.idx.msk [tilespmem:v53+s15+$0x0], $0xffff  }
0x166: {  	v62 =	vor.u32 s22, v6;
	v60 =	vadd.f32 v52, v11;
	[tilespmem:s6+$0xFFFFFE50] =	vst v23;
	v22 =	vld.idx.msk [tilespmem:v54+s15+$0x0], $0xffff  }
0x167: {  	v59 =	vor.u32 s24, v6;
	v16 =	vadd.f32 v55, v10;
	v32 =	vld.idx.msk [tilespmem:v57+s15+$0x0], $0xffff;
	[tilespmem:s6+$0xFFFFFFD0] =	vst v15  }
0x168: {  	v34 =	vor.u32 s30, v6;
	[tilespmem:s28+$0xFFFFFFE0] =	vst v60;
	v21 =	vadd.f32 v21, v8;
	v25 =	vld.idx.msk [tilespmem:v51+s15+$0x0], $0xffff  }
0x169: {  	v36 =	vor.u32 s0, v6;
	[tilespmem:s28+$0xFFFFFF60] =	vst v16;
	v20 =	vadd.f32 v20, v9;
	v33 =	vld.idx.msk [tilespmem:v58+s15+$0x0], $0xffff  }
0x16a: {  	v38 =	vor.u32 s26, v6;
	[tilespmem:s28+$0xFFFFFE60] =	vst v21;
	v37 =	vld.idx.msk [tilespmem:v61+s15+$0x0], $0xffff;
	v17 =	vadd.f32 v17, v13  }
0x16b: {  	v63 =	vor.u32 s2, v6;
	[tilespmem:s28+$0xFFFFFEE0] =	vst v20;
	v14 =	vld.idx.msk [tilespmem:v62+s15+$0x0], $0xffff;
	v40 =	vadd.f32 v22, v19  }
0x16c: {  	v39 =	vor.u32 s29, v7;
	v15 =	vld.idx.msk [tilespmem:v59+s15+$0x0], $0xffff;
	v24 =	vadd.f32 v32, v12;
	[tilespmem:s6+$0xFFFFFEE0] =	vst v17  }
0x16d: {  	v43 =	vor.u32 s25, v7;
	[tilespmem:s6+$0xFFFFFF60] =	vst v40;
	v35 =	vadd.f32 v25, v18;
	v20 =	vld.idx.msk [tilespmem:v34+s15+$0x0], $0xffff  }
0x16e: {  	v44 =	vor.u32 s22, v7;
	v42 =	vadd.f32 v33, v11;
	[tilespmem:s6+$0xFFFFFE60] =	vst v24;
	v45 =	vld.idx.msk [tilespmem:v36+s15+$0x0], $0xffff  }
0x16f: {  	v41 =	vor.u32 s24, v7;
	v46 =	vadd.f32 v37, v10;
	v48 =	vld.idx.msk [tilespmem:v38+s15+$0x0], $0xffff;
	[tilespmem:s6+$0xFFFFFFE0] =	vst v35  }
0x170: {  	v50 =	vor.u32 s30, v7;
	[tilespmem:s28+$0xFFFFFFF0] =	vst v42;
	v14 =	vadd.f32 v14, v8;
	v23 =	vld.idx.msk [tilespmem:v63+s15+$0x0], $0xffff  }
0x171: {  	v52 =	vor.u32 s0, v7;
	[tilespmem:s28+$0xFFFFFF70] =	vst v46;
	v49 =	vld.idx.msk [tilespmem:v39+s15+$0x0], $0xffff;
	v15 =	vadd.f32 v15, v9  }
0x172: {  	v54 =	vor.u32 s26, v7;
	v53 =	vld.idx.msk [tilespmem:v43+s15+$0x0], $0xffff;
	[tilespmem:s28+$0xFFFFFE70] =	vst v14;
	v20 =	vadd.f32 v20, v13  }
0x173: {  	v47 =	vor.u32 s2, v7;
	v16 =	vld.idx.msk [tilespmem:v44+s15+$0x0], $0xffff;
	[tilespmem:s28+$0xFFFFFEF0] =	vst v15;
	v55 =	vadd.f32 v45, v19  }
0x174: {  	v22 =	vld.idx.msk [tilespmem:v41+s15+$0x0], $0xffff;
	v56 =	vadd.f32 v48, v12;
	[tilespmem:s6+$0xFFFFFEF0] =	vst v20  }
0x175: {  	[tilespmem:s6+$0xFFFFFF70] =	vst v55;
	v51 =	vadd.f32 v23, v18;
	v15 =	vld.idx.msk [tilespmem:v50+s15+$0x0], $0xffff  }
0x176: {  	v57 =	vadd.f32 v49, v11;
	[tilespmem:s6+$0xFFFFFE70] =	vst v56;
	v17 =	vld.idx.msk [tilespmem:v52+s15+$0x0], $0xffff  }
0x177: {  	v59 =	vadd.f32 v53, v10;
	v60 =	vld.idx.msk [tilespmem:v54+s15+$0x0], $0xffff;
	[tilespmem:s6+$0xFFFFFFF0] =	vst v51  }
0x178: {  	[tilespmem:s28+$0x0] =	vst v57;
	v8 =	vadd.f32 v16, v8;
	v21 =	vld.idx.msk [tilespmem:v47+s15+$0x0], $0xffff  }
0x179: {  	[tilespmem:s28+$0xFFFFFF80] =	vst v59;
	v58 =	vadd.f32 v22, v9  }
0x17a: {  	s21 =	sadd.s32 $0x1, s21;
	[tilespmem:s28+$0xFFFFFE80] =	vst v8;
	v8 =	vadd.f32 v15, v13  }
0x17b: {  	p0 =	sne.s32 s21, $0x64;
	[tilespmem:s28+$0xFFFFFF00] =	vst v58;
	v62 =	vadd.f32 v17, v19  }
.Ltmp2:
0x17c: {  	s31 =	sshll.u32 s23, $0x12;
	v63 =	vadd.f32 v60, v12;
	[tilespmem:s6+$0xFFFFFF00] =	vst v8;
	(pc) =	sbr.rel @p0 .LBB2_2-.Ltmp2, $4  }
0x17d: {  	s0 =	sor.u32 s4, s31;
	[tilespmem:s6+$0xFFFFFF80] =	vst v62;
	v61 =	vadd.f32 v21, v18  }
0x17e: {  	s0 =	sshrl.u32 s0, $0x3;
	[tilespmem:s6+$0xFFFFFE80] =	vst v63  }
0x17f: {  	s0 =	sadd.s32 s1, s0;
	[tilespmem:s6+$0x0] =	vst v61  }
0x180: {  	[hbm4b:s0+s11] =	stream.strided.scatter [tilespmem:s18], [sflag:$0x2], $0x2000, s12, s11, $0x38;
	[tilespmem:$0x15600] =	vst v63  }
0x181: {  	_ =	swait.ge [sflag:s19], $0x2000  }
0x182: {  	[sflag:s19] =	ssyncset.done $0x0  }
0x183: {  	[sflag:s19] =	ssyncadd.s32 $0xFFFFE000  }
0x184: {  	_ =	swait.ge [sflag:s19], $0x2000  }
0x185: {  	s20 =	sadd.s32 $0x1, s20;
	s0 =	rddreg [dreg:$0x6]  }
0x186: {  	p0 =	sne.s32 s20, s0  }
.Ltmp3:
0x187: {  	_ = 	snop;
	(pc) =	sbr.rel @p0 .LBB2_1-.Ltmp3, $3  }
0x188: {  	_ =	sdelay $0x1  }
0x189: {  	[sflag:s19] =	ssyncset.done $0x0  }
0x18a: {  	[sflag:s19] =	ssyncadd.s32 $0xFFFFE000  }
0x18b: {  	_ =	sfence.sel $0x180000  }
0x18c: {  	[bflag:$0x0] =	sbarrier.arrive $0xFFFF  }
0x18d: {  	_ =	strace $0x90000047  }
0x18e: {  	s0 =	stileid.u32;
	[bflag:$0x2] =	sbarrier.arrive $0xFFFF  }
0x18f: {  	p0 =	sne.s32 s0, $0x0;
	s0 =	rddreg [dreg:$0x3]  }
0x190: {  	s0 =	sadd.s32 @!p0 $0x100000, s0  }
0x191: {  	[sflag:s0] =	ssyncadd.tile.s32 @!p0 $0x1;
	_ =	shalt  }
.Lfunc_end2:
_tile_overlayer_lowered:
.L_overlay_start_2:
0x192: {  	(tag) =	ssettag $0x2  }
0x193: {  	s0 =	rddreg [dreg:$0x0];
	s2 =	stileid.u32  }
0x194: {  	s1 =	rddreg [dreg:$0x1];
	p0 =	sne.s32 s2, $0x0  }
0x195: {  	s3 =	rddreg [dreg:$0x2];
	[bflag:$0x3] =	sbarrier.arrive $0xFFFF;
	s2 =	simm.s32 @!p0 $0x1C03  }
0x196: {  	[timem:s3], [sflag:s2] =	dma.local @!p0 [hbm:s0], s1  }
0x197: {  	s0 =	simm.s32 @!p0 $0x3  }
0x198: {  	_ =	swait.ge @!p0 [sflag:s0], s1  }
0x199: {  	s1 =	ssub.s32 @!p0 $0x0, s1;
	[sflag:s0] =	ssyncset.done @!p0 $0x0  }
0x19a: {  	[sflag:s0] =	ssyncadd.s32 @!p0 s1  }
0x19b: {  	[bflag:$0x3] =	sbarrier.arrive $0xFFFF  }
0x19c: {  	_ =	shalt  }

</sc_bundles>
